<compile_context>
chip_gen: v7x
topology: tpu7x:2x2x1
jax: 0.10.2.dev20260603
libtpu: 0.0.44.dev20260713+nightly
codegen_flags: <defaults>
</compile_context>

<pallas_src>
import functools

import jax
import jax.numpy as jnp
from jax import lax
from jax.experimental import pallas as pl
from jax.experimental.pallas import tpu as pltpu
from jax.experimental.pallas import tpu_sc as plsc

_NC = 2
_CHUNK = 256
_NB = 4
_W = 2


def kernel(x, pe):
    seq_len = x.shape[1]
    d = pe.shape[1]
    rows_w = seq_len // _NC
    nchunks = rows_w // _CHUNK

    mesh = plsc.ScalarSubcoreMesh(axis_name="c", num_cores=_NC)

    @functools.partial(
        pl.kernel,
        mesh=mesh,
        out_type=jax.ShapeDtypeStruct((seq_len, d), jnp.float32),
        scratch_types=[pltpu.VMEM_SHARED((_NB, _CHUNK, d), jnp.float32)]
        + [pltpu.SemaphoreType.DMA] * (2 * _NB),
    )
    def copy_k(pe_hbm, out_hbm, buf, *sems):
        s_in, s_out = sems[:_NB], sems[_NB:]
        base = lax.axis_index("c") * rows_w

        def in_copy(i):
            b = i % _NB
            return pltpu.make_async_copy(
                pe_hbm.at[pl.ds(base + i * _CHUNK, _CHUNK)], buf.at[b], s_in[b])

        def out_copy(i):
            b = i % _NB
            return pltpu.make_async_copy(
                buf.at[b], out_hbm.at[pl.ds(base + i * _CHUNK, _CHUNK)], s_out[b])

        for j in range(min(_NB, nchunks)):
            in_copy(j).start()
        for i in range(nchunks):
            in_copy(i).wait()
            out_copy(i).start()
            j = i - _W
            if j >= 0:
                out_copy(j).wait()
                if j + _NB < nchunks:
                    in_copy(j + _NB).start()
        for i in range(max(nchunks - _W, 0), nchunks):
            out_copy(i).wait()

    return copy_k(pe)[None]

# --- scband reference (transcript-rebuilt; emitter-appended) ---
"""Pipeline reference for scband-positional-embedding-19920058319169 (READ-ONLY COPY).

The authoritative reference and input builder live on the scoring server;
editing this copy changes nothing except your own understanding.
"""

import jax, jax.numpy as jnp
import numpy as np

D_MODEL = 1024
MAX_LEN = 8192
BATCH = 4
SEQ_LEN = 8192

def setup_inputs(seed: int = 0) -> dict:
    key = jax.random.key(seed)
    k_x, k_pe = jax.random.split(key)
    x = jax.random.randint(k_x, (BATCH, SEQ_LEN), 0, 1000, dtype=jnp.int64 if jax.config.jax_enable_x64 else jnp.int32).astype(jnp.int32)
    pe = jax.random.normal(k_pe, (MAX_LEN, D_MODEL), dtype=jnp.float32)
    return {"x": x, "pe": pe}

def reference(x, pe):
    # forward: batch_size, seq_len = x.size(); position = arange(seq_len)[None]; return pe(position)
    seq_len = x.shape[1]
    position = jnp.arange(seq_len, dtype=jnp.int32)[None, :]  # [1, seq_len]
    out = jnp.take(pe, position, axis=0)  # [1, seq_len, d_model]
    return out

if __name__ == "__main__":
    import jax
    _d = setup_inputs()
    print(jax.jit(kernel)(*tuple(_d.values())))

</pallas_src>

<mosaic_0001>
#map = affine_map<(d0) -> (0, 0)>
module attributes {stable_mosaic.version = 14 : i64} {
  func.func @copy_k(%arg0: i32, %arg1: memref<8192x1024xf32, #tpu.memory_space<hbm>>, %arg2: memref<8192x1024xf32, #tpu.memory_space<hbm>>, %arg3: memref<4x256x1024xf32, #tpu.memory_space<vmem_shared>>, %arg4: memref<!tpu.dma_semaphore, #tpu.memory_space<semaphore_mem>>, %arg5: memref<!tpu.dma_semaphore, #tpu.memory_space<semaphore_mem>>, %arg6: memref<!tpu.dma_semaphore, #tpu.memory_space<semaphore_mem>>, %arg7: memref<!tpu.dma_semaphore, #tpu.memory_space<semaphore_mem>>, %arg8: memref<!tpu.dma_semaphore, #tpu.memory_space<semaphore_mem>>, %arg9: memref<!tpu.dma_semaphore, #tpu.memory_space<semaphore_mem>>, %arg10: memref<!tpu.dma_semaphore, #tpu.memory_space<semaphore_mem>>, %arg11: memref<!tpu.dma_semaphore, #tpu.memory_space<semaphore_mem>>) attributes {dimension_semantics = [#tpu.dimension_semantics<core_parallel>], iteration_bounds = array<i64: 2>, scalar_prefetch = 0 : i64, scratch_operands = 9 : i64, tpu.core_type = #tpu.core_type<sc_scalar_subcore>, window_params = [{transform_indices = #map}, {transform_indices = #map}]} {
    %mul3A = arith.constant 4096 : i32
    %mul3A_0 = arith.muli %arg0, %mul3A : i32
    %add3A = arith.constant 0 : i32
    %add3A_1 = arith.addi %mul3A_0, %add3A : i32
    %dma_start3A = arith.constant 0 : i32
    %dma_start3A_2 = arith.constant 0 : i32
    %dma_start3A_3 = arith.constant 0 : i32
    %dma_start3A_4 = tpu.memref_slice %arg3[%dma_start3A, %dma_start3A_2, %dma_start3A_3] : memref<4x256x1024xf32, #tpu.memory_space<vmem_shared>> -> memref<1x256x1024xf32, #tpu.memory_space<vmem_shared>>
    %dma_start3A_5 = tpu.memref_squeeze %dma_start3A_4 : memref<1x256x1024xf32, #tpu.memory_space<vmem_shared>> -> memref<256x1024xf32, #tpu.memory_space<vmem_shared>>
    %dma_start3A_6 = arith.constant 0 : i32
    %dma_start3A_7 = tpu.memref_slice %arg1[%add3A_1, %dma_start3A_6] : memref<8192x1024xf32, #tpu.memory_space<hbm>> -> memref<256x1024xf32, #tpu.memory_space<hbm>>
    tpu.enqueue_dma source(%dma_start3A_7 : memref<256x1024xf32, #tpu.memory_space<hbm>>) target(%dma_start3A_5 : memref<256x1024xf32, #tpu.memory_space<vmem_shared>>) target_semaphore(%arg4 : memref<!tpu.dma_semaphore, #tpu.memory_space<semaphore_mem>>)
    %add3A_8 = arith.constant 256 : i32
    %add3A_9 = arith.addi %mul3A_0, %add3A_8 : i32
    %dma_start3A_10 = arith.constant 1 : i32
    %dma_start3A_11 = arith.constant 0 : i32
    %dma_start3A_12 = arith.constant 0 : i32
    %dma_start3A_13 = tpu.memref_slice %arg3[%dma_start3A_10, %dma_start3A_11, %dma_start3A_12] : memref<4x256x1024xf32, #tpu.memory_space<vmem_shared>> -> memref<1x256x1024xf32, #tpu.memory_space<vmem_shared>>
    %dma_start3A_14 = tpu.memref_squeeze %dma_start3A_13 : memref<1x256x1024xf32, #tpu.memory_space<vmem_shared>> -> memref<256x1024xf32, #tpu.memory_space<vmem_shared>>
    %dma_start3A_15 = arith.constant 0 : i32
    %dma_start3A_16 = tpu.memref_slice %arg1[%add3A_9, %dma_start3A_15] : memref<8192x1024xf32, #tpu.memory_space<hbm>> -> memref<256x1024xf32, #tpu.memory_space<hbm>>
    tpu.enqueue_dma source(%dma_start3A_16 : memref<256x1024xf32, #tpu.memory_space<hbm>>) target(%dma_start3A_14 : memref<256x1024xf32, #tpu.memory_space<vmem_shared>>) target_semaphore(%arg5 : memref<!tpu.dma_semaphore, #tpu.memory_space<semaphore_mem>>)
    %add3A_17 = arith.constant 512 : i32
    %add3A_18 = arith.addi %mul3A_0, %add3A_17 : i32
    %dma_start3A_19 = arith.constant 2 : i32
    %dma_start3A_20 = arith.constant 0 : i32
    %dma_start3A_21 = arith.constant 0 : i32
    %dma_start3A_22 = tpu.memref_slice %arg3[%dma_start3A_19, %dma_start3A_20, %dma_start3A_21] : memref<4x256x1024xf32, #tpu.memory_space<vmem_shared>> -> memref<1x256x1024xf32, #tpu.memory_space<vmem_shared>>
    %dma_start3A_23 = tpu.memref_squeeze %dma_start3A_22 : memref<1x256x1024xf32, #tpu.memory_space<vmem_shared>> -> memref<256x1024xf32, #tpu.memory_space<vmem_shared>>
    %dma_start3A_24 = arith.constant 0 : i32
    %dma_start3A_25 = tpu.memref_slice %arg1[%add3A_18, %dma_start3A_24] : memref<8192x1024xf32, #tpu.memory_space<hbm>> -> memref<256x1024xf32, #tpu.memory_space<hbm>>
    tpu.enqueue_dma source(%dma_start3A_25 : memref<256x1024xf32, #tpu.memory_space<hbm>>) target(%dma_start3A_23 : memref<256x1024xf32, #tpu.memory_space<vmem_shared>>) target_semaphore(%arg6 : memref<!tpu.dma_semaphore, #tpu.memory_space<semaphore_mem>>)
    %add3A_26 = arith.constant 768 : i32
    %add3A_27 = arith.addi %mul3A_0, %add3A_26 : i32
    %dma_start3A_28 = arith.constant 3 : i32
    %dma_start3A_29 = arith.constant 0 : i32
    %dma_start3A_30 = arith.constant 0 : i32
    %dma_start3A_31 = tpu.memref_slice %arg3[%dma_start3A_28, %dma_start3A_29, %dma_start3A_30] : memref<4x256x1024xf32, #tpu.memory_space<vmem_shared>> -> memref<1x256x1024xf32, #tpu.memory_space<vmem_shared>>
    %dma_start3A_32 = tpu.memref_squeeze %dma_start3A_31 : memref<1x256x1024xf32, #tpu.memory_space<vmem_shared>> -> memref<256x1024xf32, #tpu.memory_space<vmem_shared>>
    %dma_start3A_33 = arith.constant 0 : i32
    %dma_start3A_34 = tpu.memref_slice %arg1[%add3A_27, %dma_start3A_33] : memref<8192x1024xf32, #tpu.memory_space<hbm>> -> memref<256x1024xf32, #tpu.memory_space<hbm>>
    tpu.enqueue_dma source(%dma_start3A_34 : memref<256x1024xf32, #tpu.memory_space<hbm>>) target(%dma_start3A_32 : memref<256x1024xf32, #tpu.memory_space<vmem_shared>>) target_semaphore(%arg7 : memref<!tpu.dma_semaphore, #tpu.memory_space<semaphore_mem>>)
    %add3A_35 = arith.constant 0 : i32
    %add3A_36 = arith.addi %mul3A_0, %add3A_35 : i32
    %dma_wait3A = arith.constant 0 : i32
    %dma_wait3A_37 = arith.constant 0 : i32
    %dma_wait3A_38 = arith.constant 0 : i32
    %dma_wait3A_39 = tpu.memref_slice %arg3[%dma_wait3A, %dma_wait3A_37, %dma_wait3A_38] : memref<4x256x1024xf32, #tpu.memory_space<vmem_shared>> -> memref<1x256x1024xf32, #tpu.memory_space<vmem_shared>>
    %dma_wait3A_40 = tpu.memref_squeeze %dma_wait3A_39 : memref<1x256x1024xf32, #tpu.memory_space<vmem_shared>> -> memref<256x1024xf32, #tpu.memory_space<vmem_shared>>
    %dma_wait3A_41 = arith.constant 0 : i32
    %dma_wait3A_42 = tpu.memref_slice %arg1[%add3A_36, %dma_wait3A_41] : memref<8192x1024xf32, #tpu.memory_space<hbm>> -> memref<256x1024xf32, #tpu.memory_space<hbm>>
    tpu.wait_dma2 semaphore(%arg4 : memref<!tpu.dma_semaphore, #tpu.memory_space<semaphore_mem>>) src(%dma_wait3A_42 : memref<256x1024xf32, #tpu.memory_space<hbm>>) dst(%dma_wait3A_40 : memref<256x1024xf32, #tpu.memory_space<vmem_shared>>)
    %add3A_43 = arith.constant 0 : i32
    %add3A_44 = arith.addi %mul3A_0, %add3A_43 : i32
    %dma_start3A_45 = arith.constant 0 : i32
    %dma_start3A_46 = arith.constant 0 : i32
    %dma_start3A_47 = tpu.memref_slice %arg2[%add3A_44, %dma_start3A_46] : memref<8192x1024xf32, #tpu.memory_space<hbm>> -> memref<256x1024xf32, #tpu.memory_space<hbm>>
    %dma_start3A_48 = arith.constant 0 : i32
    %dma_start3A_49 = arith.constant 0 : i32
    %dma_start3A_50 = tpu.memref_slice %arg3[%dma_start3A_45, %dma_start3A_48, %dma_start3A_49] : memref<4x256x1024xf32, #tpu.memory_space<vmem_shared>> -> memref<1x256x1024xf32, #tpu.memory_space<vmem_shared>>
    %dma_start3A_51 = tpu.memref_squeeze %dma_start3A_50 : memref<1x256x1024xf32, #tpu.memory_space<vmem_shared>> -> memref<256x1024xf32, #tpu.memory_space<vmem_shared>>
    tpu.enqueue_dma source(%dma_start3A_51 : memref<256x1024xf32, #tpu.memory_space<vmem_shared>>) target(%dma_start3A_47 : memref<256x1024xf32, #tpu.memory_space<hbm>>) target_semaphore(%arg8 : memref<!tpu.dma_semaphore, #tpu.memory_space<semaphore_mem>>)
    %add3A_52 = arith.constant 256 : i32
    %add3A_53 = arith.addi %mul3A_0, %add3A_52 : i32
    %dma_wait3A_54 = arith.constant 1 : i32
    %dma_wait3A_55 = arith.constant 0 : i32
    %dma_wait3A_56 = arith.constant 0 : i32
    %dma_wait3A_57 = tpu.memref_slice %arg3[%dma_wait3A_54, %dma_wait3A_55, %dma_wait3A_56] : memref<4x256x1024xf32, #tpu.memory_space<vmem_shared>> -> memref<1x256x1024xf32, #tpu.memory_space<vmem_shared>>
    %dma_wait3A_58 = tpu.memref_squeeze %dma_wait3A_57 : memref<1x256x1024xf32, #tpu.memory_space<vmem_shared>> -> memref<256x1024xf32, #tpu.memory_space<vmem_shared>>
    %dma_wait3A_59 = arith.constant 0 : i32
    %dma_wait3A_60 = tpu.memref_slice %arg1[%add3A_53, %dma_wait3A_59] : memref<8192x1024xf32, #tpu.memory_space<hbm>> -> memref<256x1024xf32, #tpu.memory_space<hbm>>
    tpu.wait_dma2 semaphore(%arg5 : memref<!tpu.dma_semaphore, #tpu.memory_space<semaphore_mem>>) src(%dma_wait3A_60 : memref<256x1024xf32, #tpu.memory_space<hbm>>) dst(%dma_wait3A_58 : memref<256x1024xf32, #tpu.memory_space<vmem_shared>>)
    %add3A_61 = arith.constant 256 : i32
    %add3A_62 = arith.addi %mul3A_0, %add3A_61 : i32
    %dma_start3A_63 = arith.constant 1 : i32
    %dma_start3A_64 = arith.constant 0 : i32
    %dma_start3A_65 = tpu.memref_slice %arg2[%add3A_62, %dma_start3A_64] : memref<8192x1024xf32, #tpu.memory_space<hbm>> -> memref<256x1024xf32, #tpu.memory_space<hbm>>
    %dma_start3A_66 = arith.constant 0 : i32
    %dma_start3A_67 = arith.constant 0 : i32
    %dma_start3A_68 = tpu.memref_slice %arg3[%dma_start3A_63, %dma_start3A_66, %dma_start3A_67] : memref<4x256x1024xf32, #tpu.memory_space<vmem_shared>> -> memref<1x256x1024xf32, #tpu.memory_space<vmem_shared>>
    %dma_start3A_69 = tpu.memref_squeeze %dma_start3A_68 : memref<1x256x1024xf32, #tpu.memory_space<vmem_shared>> -> memref<256x1024xf32, #tpu.memory_space<vmem_shared>>
    tpu.enqueue_dma source(%dma_start3A_69 : memref<256x1024xf32, #tpu.memory_space<vmem_shared>>) target(%dma_start3A_65 : memref<256x1024xf32, #tpu.memory_space<hbm>>) target_semaphore(%arg9 : memref<!tpu.dma_semaphore, #tpu.memory_space<semaphore_mem>>)
    %add3A_70 = arith.constant 512 : i32
    %add3A_71 = arith.addi %mul3A_0, %add3A_70 : i32
    %dma_wait3A_72 = arith.constant 2 : i32
    %dma_wait3A_73 = arith.constant 0 : i32
    %dma_wait3A_74 = arith.constant 0 : i32
    %dma_wait3A_75 = tpu.memref_slice %arg3[%dma_wait3A_72, %dma_wait3A_73, %dma_wait3A_74] : memref<4x256x1024xf32, #tpu.memory_space<vmem_shared>> -> memref<1x256x1024xf32, #tpu.memory_space<vmem_shared>>
    %dma_wait3A_76 = tpu.memref_squeeze %dma_wait3A_75 : memref<1x256x1024xf32, #tpu.memory_space<vmem_shared>> -> memref<256x1024xf32, #tpu.memory_space<vmem_shared>>
    %dma_wait3A_77 = arith.constant 0 : i32
    %dma_wait3A_78 = tpu.memref_slice %arg1[%add3A_71, %dma_wait3A_77] : memref<8192x1024xf32, #tpu.memory_space<hbm>> -> memref<256x1024xf32, #tpu.memory_space<hbm>>
    tpu.wait_dma2 semaphore(%arg6 : memref<!tpu.dma_semaphore, #tpu.memory_space<semaphore_mem>>) src(%dma_wait3A_78 : memref<256x1024xf32, #tpu.memory_space<hbm>>) dst(%dma_wait3A_76 : memref<256x1024xf32, #tpu.memory_space<vmem_shared>>)
    %add3A_79 = arith.constant 512 : i32
    %add3A_80 = arith.addi %mul3A_0, %add3A_79 : i32
    %dma_start3A_81 = arith.constant 2 : i32
    %dma_start3A_82 = arith.constant 0 : i32
    %dma_start3A_83 = tpu.memref_slice %arg2[%add3A_80, %dma_start3A_82] : memref<8192x1024xf32, #tpu.memory_space<hbm>> -> memref<256x1024xf32, #tpu.memory_space<hbm>>
    %dma_start3A_84 = arith.constant 0 : i32
    %dma_start3A_85 = arith.constant 0 : i32
    %dma_start3A_86 = tpu.memref_slice %arg3[%dma_start3A_81, %dma_start3A_84, %dma_start3A_85] : memref<4x256x1024xf32, #tpu.memory_space<vmem_shared>> -> memref<1x256x1024xf32, #tpu.memory_space<vmem_shared>>
    %dma_start3A_87 = tpu.memref_squeeze %dma_start3A_86 : memref<1x256x1024xf32, #tpu.memory_space<vmem_shared>> -> memref<256x1024xf32, #tpu.memory_space<vmem_shared>>
    tpu.enqueue_dma source(%dma_start3A_87 : memref<256x1024xf32, #tpu.memory_space<vmem_shared>>) target(%dma_start3A_83 : memref<256x1024xf32, #tpu.memory_space<hbm>>) target_semaphore(%arg10 : memref<!tpu.dma_semaphore, #tpu.memory_space<semaphore_mem>>)
    %add3A_88 = arith.constant 0 : i32
    %add3A_89 = arith.addi %mul3A_0, %add3A_88 : i32
    %dma_wait3A_90 = arith.constant 0 : i32
    %dma_wait3A_91 = arith.constant 0 : i32
    %dma_wait3A_92 = tpu.memref_slice %arg2[%add3A_89, %dma_wait3A_91] : memref<8192x1024xf32, #tpu.memory_space<hbm>> -> memref<256x1024xf32, #tpu.memory_space<hbm>>
    %dma_wait3A_93 = arith.constant 0 : i32
    %dma_wait3A_94 = arith.constant 0 : i32
    %dma_wait3A_95 = tpu.memref_slice %arg3[%dma_wait3A_90, %dma_wait3A_93, %dma_wait3A_94] : memref<4x256x1024xf32, #tpu.memory_space<vmem_shared>> -> memref<1x256x1024xf32, #tpu.memory_space<vmem_shared>>
    %dma_wait3A_96 = tpu.memref_squeeze %dma_wait3A_95 : memref<1x256x1024xf32, #tpu.memory_space<vmem_shared>> -> memref<256x1024xf32, #tpu.memory_space<vmem_shared>>
    tpu.wait_dma2 semaphore(%arg8 : memref<!tpu.dma_semaphore, #tpu.memory_space<semaphore_mem>>) src(%dma_wait3A_96 : memref<256x1024xf32, #tpu.memory_space<vmem_shared>>) dst(%dma_wait3A_92 : memref<256x1024xf32, #tpu.memory_space<hbm>>)
    %add3A_97 = arith.constant 1024 : i32
    %add3A_98 = arith.addi %mul3A_0, %add3A_97 : i32
    %dma_start3A_99 = arith.constant 0 : i32
    %dma_start3A_100 = arith.constant 0 : i32
    %dma_start3A_101 = arith.constant 0 : i32
    %dma_start3A_102 = tpu.memref_slice %arg3[%dma_start3A_99, %dma_start3A_100, %dma_start3A_101] : memref<4x256x1024xf32, #tpu.memory_space<vmem_shared>> -> memref<1x256x1024xf32, #tpu.memory_space<vmem_shared>>
    %dma_start3A_103 = tpu.memref_squeeze %dma_start3A_102 : memref<1x256x1024xf32, #tpu.memory_space<vmem_shared>> -> memref<256x1024xf32, #tpu.memory_space<vmem_shared>>
    %dma_start3A_104 = arith.constant 0 : i32
    %dma_start3A_105 = tpu.memref_slice %arg1[%add3A_98, %dma_start3A_104] : memref<8192x1024xf32, #tpu.memory_space<hbm>> -> memref<256x1024xf32, #tpu.memory_space<hbm>>
    tpu.enqueue_dma source(%dma_start3A_105 : memref<256x1024xf32, #tpu.memory_space<hbm>>) target(%dma_start3A_103 : memref<256x1024xf32, #tpu.memory_space<vmem_shared>>) target_semaphore(%arg4 : memref<!tpu.dma_semaphore, #tpu.memory_space<semaphore_mem>>)
    %add3A_106 = arith.constant 768 : i32
    %add3A_107 = arith.addi %mul3A_0, %add3A_106 : i32
    %dma_wait3A_108 = arith.constant 3 : i32
    %dma_wait3A_109 = arith.constant 0 : i32
    %dma_wait3A_110 = arith.constant 0 : i32
    %dma_wait3A_111 = tpu.memref_slice %arg3[%dma_wait3A_108, %dma_wait3A_109, %dma_wait3A_110] : memref<4x256x1024xf32, #tpu.memory_space<vmem_shared>> -> memref<1x256x1024xf32, #tpu.memory_space<vmem_shared>>
    %dma_wait3A_112 = tpu.memref_squeeze %dma_wait3A_111 : memref<1x256x1024xf32, #tpu.memory_space<vmem_shared>> -> memref<256x1024xf32, #tpu.memory_space<vmem_shared>>
    %dma_wait3A_113 = arith.constant 0 : i32
    %dma_wait3A_114 = tpu.memref_slice %arg1[%add3A_107, %dma_wait3A_113] : memref<8192x1024xf32, #tpu.memory_space<hbm>> -> memref<256x1024xf32, #tpu.memory_space<hbm>>
    tpu.wait_dma2 semaphore(%arg7 : memref<!tpu.dma_semaphore, #tpu.memory_space<semaphore_mem>>) src(%dma_wait3A_114 : memref<256x1024xf32, #tpu.memory_space<hbm>>) dst(%dma_wait3A_112 : memref<256x1024xf32, #tpu.memory_space<vmem_shared>>)
    %add3A_115 = arith.constant 768 : i32
    %add3A_116 = arith.addi %mul3A_0, %add3A_115 : i32
    %dma_start3A_117 = arith.constant 3 : i32
    %dma_start3A_118 = arith.constant 0 : i32
    %dma_start3A_119 = tpu.memref_slice %arg2[%add3A_116, %dma_start3A_118] : memref<8192x1024xf32, #tpu.memory_space<hbm>> -> memref<256x1024xf32, #tpu.memory_space<hbm>>
    %dma_start3A_120 = arith.constant 0 : i32
    %dma_start3A_121 = arith.constant 0 : i32
    %dma_start3A_122 = tpu.memref_slice %arg3[%dma_start3A_117, %dma_start3A_120, %dma_start3A_121] : memref<4x256x1024xf32, #tpu.memory_space<vmem_shared>> -> memref<1x256x1024xf32, #tpu.memory_space<vmem_shared>>
    %dma_start3A_123 = tpu.memref_squeeze %dma_start3A_122 : memref<1x256x1024xf32, #tpu.memory_space<vmem_shared>> -> memref<256x1024xf32, #tpu.memory_space<vmem_shared>>
    tpu.enqueue_dma source(%dma_start3A_123 : memref<256x1024xf32, #tpu.memory_space<vmem_shared>>) target(%dma_start3A_119 : memref<256x1024xf32, #tpu.memory_space<hbm>>) target_semaphore(%arg11 : memref<!tpu.dma_semaphore, #tpu.memory_space<semaphore_mem>>)
    %add3A_124 = arith.constant 256 : i32
    %add3A_125 = arith.addi %mul3A_0, %add3A_124 : i32
    %dma_wait3A_126 = arith.constant 1 : i32
    %dma_wait3A_127 = arith.constant 0 : i32
    %dma_wait3A_128 = tpu.memref_slice %arg2[%add3A_125, %dma_wait3A_127] : memref<8192x1024xf32, #tpu.memory_space<hbm>> -> memref<256x1024xf32, #tpu.memory_space<hbm>>
    %dma_wait3A_129 = arith.constant 0 : i32
    %dma_wait3A_130 = arith.constant 0 : i32
    %dma_wait3A_131 = tpu.memref_slice %arg3[%dma_wait3A_126, %dma_wait3A_129, %dma_wait3A_130] : memref<4x256x1024xf32, #tpu.memory_space<vmem_shared>> -> memref<1x256x1024xf32, #tpu.memory_space<vmem_shared>>
    %dma_wait3A_132 = tpu.memref_squeeze %dma_wait3A_131 : memref<1x256x1024xf32, #tpu.memory_space<vmem_shared>> -> memref<256x1024xf32, #tpu.memory_space<vmem_shared>>
    tpu.wait_dma2 semaphore(%arg9 : memref<!tpu.dma_semaphore, #tpu.memory_space<semaphore_mem>>) src(%dma_wait3A_132 : memref<256x1024xf32, #tpu.memory_space<vmem_shared>>) dst(%dma_wait3A_128 : memref<256x1024xf32, #tpu.memory_space<hbm>>)
    %add3A_133 = arith.constant 1280 : i32
    %add3A_134 = arith.addi %mul3A_0, %add3A_133 : i32
    %dma_start3A_135 = arith.constant 1 : i32
    %dma_start3A_136 = arith.constant 0 : i32
    %dma_start3A_137 = arith.constant 0 : i32
    %dma_start3A_138 = tpu.memref_slice %arg3[%dma_start3A_135, %dma_start3A_136, %dma_start3A_137] : memref<4x256x1024xf32, #tpu.memory_space<vmem_shared>> -> memref<1x256x1024xf32, #tpu.memory_space<vmem_shared>>
    %dma_start3A_139 = tpu.memref_squeeze %dma_start3A_138 : memref<1x256x1024xf32, #tpu.memory_space<vmem_shared>> -> memref<256x1024xf32, #tpu.memory_space<vmem_shared>>
    %dma_start3A_140 = arith.constant 0 : i32
    %dma_start3A_141 = tpu.memref_slice %arg1[%add3A_134, %dma_start3A_140] : memref<8192x1024xf32, #tpu.memory_space<hbm>> -> memref<256x1024xf32, #tpu.memory_space<hbm>>
    tpu.enqueue_dma source(%dma_start3A_141 : memref<256x1024xf32, #tpu.memory_space<hbm>>) target(%dma_start3A_139 : memref<256x1024xf32, #tpu.memory_space<vmem_shared>>) target_semaphore(%arg5 : memref<!tpu.dma_semaphore, #tpu.memory_space<semaphore_mem>>)
    %add3A_142 = arith.constant 1024 : i32
    %add3A_143 = arith.addi %mul3A_0, %add3A_142 : i32
    %dma_wait3A_144 = arith.constant 0 : i32
    %dma_wait3A_145 = arith.constant 0 : i32
    %dma_wait3A_146 = arith.constant 0 : i32
    %dma_wait3A_147 = tpu.memref_slice %arg3[%dma_wait3A_144, %dma_wait3A_145, %dma_wait3A_146] : memref<4x256x1024xf32, #tpu.memory_space<vmem_shared>> -> memref<1x256x1024xf32, #tpu.memory_space<vmem_shared>>
    %dma_wait3A_148 = tpu.memref_squeeze %dma_wait3A_147 : memref<1x256x1024xf32, #tpu.memory_space<vmem_shared>> -> memref<256x1024xf32, #tpu.memory_space<vmem_shared>>
    %dma_wait3A_149 = arith.constant 0 : i32
    %dma_wait3A_150 = tpu.memref_slice %arg1[%add3A_143, %dma_wait3A_149] : memref<8192x1024xf32, #tpu.memory_space<hbm>> -> memref<256x1024xf32, #tpu.memory_space<hbm>>
    tpu.wait_dma2 semaphore(%arg4 : memref<!tpu.dma_semaphore, #tpu.memory_space<semaphore_mem>>) src(%dma_wait3A_150 : memref<256x1024xf32, #tpu.memory_space<hbm>>) dst(%dma_wait3A_148 : memref<256x1024xf32, #tpu.memory_space<vmem_shared>>)
    %add3A_151 = arith.constant 1024 : i32
    %add3A_152 = arith.addi %mul3A_0, %add3A_151 : i32
    %dma_start3A_153 = arith.constant 0 : i32
    %dma_start3A_154 = arith.constant 0 : i32
    %dma_start3A_155 = tpu.memref_slice %arg2[%add3A_152, %dma_start3A_154] : memref<8192x1024xf32, #tpu.memory_space<hbm>> -> memref<256x1024xf32, #tpu.memory_space<hbm>>
    %dma_start3A_156 = arith.constant 0 : i32
    %dma_start3A_157 = arith.constant 0 : i32
    %dma_start3A_158 = tpu.memref_slice %arg3[%dma_start3A_153, %dma_start3A_156, %dma_start3A_157] : memref<4x256x1024xf32, #tpu.memory_space<vmem_shared>> -> memref<1x256x1024xf32, #tpu.memory_space<vmem_shared>>
    %dma_start3A_159 = tpu.memref_squeeze %dma_start3A_158 : memref<1x256x1024xf32, #tpu.memory_space<vmem_shared>> -> memref<256x1024xf32, #tpu.memory_space<vmem_shared>>
    tpu.enqueue_dma source(%dma_start3A_159 : memref<256x1024xf32, #tpu.memory_space<vmem_shared>>) target(%dma_start3A_155 : memref<256x1024xf32, #tpu.memory_space<hbm>>) target_semaphore(%arg8 : memref<!tpu.dma_semaphore, #tpu.memory_space<semaphore_mem>>)
    %add3A_160 = arith.constant 512 : i32
    %add3A_161 = arith.addi %mul3A_0, %add3A_160 : i32
    %dma_wait3A_162 = arith.constant 2 : i32
    %dma_wait3A_163 = arith.constant 0 : i32
    %dma_wait3A_164 = tpu.memref_slice %arg2[%add3A_161, %dma_wait3A_163] : memref<8192x1024xf32, #tpu.memory_space<hbm>> -> memref<256x1024xf32, #tpu.memory_space<hbm>>
    %dma_wait3A_165 = arith.constant 0 : i32
    %dma_wait3A_166 = arith.constant 0 : i32
    %dma_wait3A_167 = tpu.memref_slice %arg3[%dma_wait3A_162, %dma_wait3A_165, %dma_wait3A_166] : memref<4x256x1024xf32, #tpu.memory_space<vmem_shared>> -> memref<1x256x1024xf32, #tpu.memory_space<vmem_shared>>
    %dma_wait3A_168 = tpu.memref_squeeze %dma_wait3A_167 : memref<1x256x1024xf32, #tpu.memory_space<vmem_shared>> -> memref<256x1024xf32, #tpu.memory_space<vmem_shared>>
    tpu.wait_dma2 semaphore(%arg10 : memref<!tpu.dma_semaphore, #tpu.memory_space<semaphore_mem>>) src(%dma_wait3A_168 : memref<256x1024xf32, #tpu.memory_space<vmem_shared>>) dst(%dma_wait3A_164 : memref<256x1024xf32, #tpu.memory_space<hbm>>)
    %add3A_169 = arith.constant 1536 : i32
    %add3A_170 = arith.addi %mul3A_0, %add3A_169 : i32
    %dma_start3A_171 = arith.constant 2 : i32
    %dma_start3A_172 = arith.constant 0 : i32
    %dma_start3A_173 = arith.constant 0 : i32
    %dma_start3A_174 = tpu.memref_slice %arg3[%dma_start3A_171, %dma_start3A_172, %dma_start3A_173] : memref<4x256x1024xf32, #tpu.memory_space<vmem_shared>> -> memref<1x256x1024xf32, #tpu.memory_space<vmem_shared>>
    %dma_start3A_175 = tpu.memref_squeeze %dma_start3A_174 : memref<1x256x1024xf32, #tpu.memory_space<vmem_shared>> -> memref<256x1024xf32, #tpu.memory_space<vmem_shared>>
    %dma_start3A_176 = arith.constant 0 : i32
    %dma_start3A_177 = tpu.memref_slice %arg1[%add3A_170, %dma_start3A_176] : memref<8192x1024xf32, #tpu.memory_space<hbm>> -> memref<256x1024xf32, #tpu.memory_space<hbm>>
    tpu.enqueue_dma source(%dma_start3A_177 : memref<256x1024xf32, #tpu.memory_space<hbm>>) target(%dma_start3A_175 : memref<256x1024xf32, #tpu.memory_space<vmem_shared>>) target_semaphore(%arg6 : memref<!tpu.dma_semaphore, #tpu.memory_space<semaphore_mem>>)
    %add3A_178 = arith.constant 1280 : i32
    %add3A_179 = arith.addi %mul3A_0, %add3A_178 : i32
    %dma_wait3A_180 = arith.constant 1 : i32
    %dma_wait3A_181 = arith.constant 0 : i32
    %dma_wait3A_182 = arith.constant 0 : i32
    %dma_wait3A_183 = tpu.memref_slice %arg3[%dma_wait3A_180, %dma_wait3A_181, %dma_wait3A_182] : memref<4x256x1024xf32, #tpu.memory_space<vmem_shared>> -> memref<1x256x1024xf32, #tpu.memory_space<vmem_shared>>
    %dma_wait3A_184 = tpu.memref_squeeze %dma_wait3A_183 : memref<1x256x1024xf32, #tpu.memory_space<vmem_shared>> -> memref<256x1024xf32, #tpu.memory_space<vmem_shared>>
    %dma_wait3A_185 = arith.constant 0 : i32
    %dma_wait3A_186 = tpu.memref_slice %arg1[%add3A_179, %dma_wait3A_185] : memref<8192x1024xf32, #tpu.memory_space<hbm>> -> memref<256x1024xf32, #tpu.memory_space<hbm>>
    tpu.wait_dma2 semaphore(%arg5 : memref<!tpu.dma_semaphore, #tpu.memory_space<semaphore_mem>>) src(%dma_wait3A_186 : memref<256x1024xf32, #tpu.memory_space<hbm>>) dst(%dma_wait3A_184 : memref<256x1024xf32, #tpu.memory_space<vmem_shared>>)
    %add3A_187 = arith.constant 1280 : i32
    %add3A_188 = arith.addi %mul3A_0, %add3A_187 : i32
    %dma_start3A_189 = arith.constant 1 : i32
    %dma_start3A_190 = arith.constant 0 : i32
    %dma_start3A_191 = tpu.memref_slice %arg2[%add3A_188, %dma_start3A_190] : memref<8192x1024xf32, #tpu.memory_space<hbm>> -> memref<256x1024xf32, #tpu.memory_space<hbm>>
    %dma_start3A_192 = arith.constant 0 : i32
    %dma_start3A_193 = arith.constant 0 : i32
    %dma_start3A_194 = tpu.memref_slice %arg3[%dma_start3A_189, %dma_start3A_192, %dma_start3A_193] : memref<4x256x1024xf32, #tpu.memory_space<vmem_shared>> -> memref<1x256x1024xf32, #tpu.memory_space<vmem_shared>>
    %dma_start3A_195 = tpu.memref_squeeze %dma_start3A_194 : memref<1x256x1024xf32, #tpu.memory_space<vmem_shared>> -> memref<256x1024xf32, #tpu.memory_space<vmem_shared>>
    tpu.enqueue_dma source(%dma_start3A_195 : memref<256x1024xf32, #tpu.memory_space<vmem_shared>>) target(%dma_start3A_191 : memref<256x1024xf32, #tpu.memory_space<hbm>>) target_semaphore(%arg9 : memref<!tpu.dma_semaphore, #tpu.memory_space<semaphore_mem>>)
    %add3A_196 = arith.constant 768 : i32
    %add3A_197 = arith.addi %mul3A_0, %add3A_196 : i32
    %dma_wait3A_198 = arith.constant 3 : i32
    %dma_wait3A_199 = arith.constant 0 : i32
    %dma_wait3A_200 = tpu.memref_slice %arg2[%add3A_197, %dma_wait3A_199] : memref<8192x1024xf32, #tpu.memory_space<hbm>> -> memref<256x1024xf32, #tpu.memory_space<hbm>>
    %dma_wait3A_201 = arith.constant 0 : i32
    %dma_wait3A_202 = arith.constant 0 : i32
    %dma_wait3A_203 = tpu.memref_slice %arg3[%dma_wait3A_198, %dma_wait3A_201, %dma_wait3A_202] : memref<4x256x1024xf32, #tpu.memory_space<vmem_shared>> -> memref<1x256x1024xf32, #tpu.memory_space<vmem_shared>>
    %dma_wait3A_204 = tpu.memref_squeeze %dma_wait3A_203 : memref<1x256x1024xf32, #tpu.memory_space<vmem_shared>> -> memref<256x1024xf32, #tpu.memory_space<vmem_shared>>
    tpu.wait_dma2 semaphore(%arg11 : memref<!tpu.dma_semaphore, #tpu.memory_space<semaphore_mem>>) src(%dma_wait3A_204 : memref<256x1024xf32, #tpu.memory_space<vmem_shared>>) dst(%dma_wait3A_200 : memref<256x1024xf32, #tpu.memory_space<hbm>>)
    %add3A_205 = arith.constant 1792 : i32
    %add3A_206 = arith.addi %mul3A_0, %add3A_205 : i32
    %dma_start3A_207 = arith.constant 3 : i32
    %dma_start3A_208 = arith.constant 0 : i32
    %dma_start3A_209 = arith.constant 0 : i32
    %dma_start3A_210 = tpu.memref_slice %arg3[%dma_start3A_207, %dma_start3A_208, %dma_start3A_209] : memref<4x256x1024xf32, #tpu.memory_space<vmem_shared>> -> memref<1x256x1024xf32, #tpu.memory_space<vmem_shared>>
    %dma_start3A_211 = tpu.memref_squeeze %dma_start3A_210 : memref<1x256x1024xf32, #tpu.memory_space<vmem_shared>> -> memref<256x1024xf32, #tpu.memory_space<vmem_shared>>
    %dma_start3A_212 = arith.constant 0 : i32
    %dma_start3A_213 = tpu.memref_slice %arg1[%add3A_206, %dma_start3A_212] : memref<8192x1024xf32, #tpu.memory_space<hbm>> -> memref<256x1024xf32, #tpu.memory_space<hbm>>
    tpu.enqueue_dma source(%dma_start3A_213 : memref<256x1024xf32, #tpu.memory_space<hbm>>) target(%dma_start3A_211 : memref<256x1024xf32, #tpu.memory_space<vmem_shared>>) target_semaphore(%arg7 : memref<!tpu.dma_semaphore, #tpu.memory_space<semaphore_mem>>)
    %add3A_214 = arith.constant 1536 : i32
    %add3A_215 = arith.addi %mul3A_0, %add3A_214 : i32
    %dma_wait3A_216 = arith.constant 2 : i32
    %dma_wait3A_217 = arith.constant 0 : i32
    %dma_wait3A_218 = arith.constant 0 : i32
    %dma_wait3A_219 = tpu.memref_slice %arg3[%dma_wait3A_216, %dma_wait3A_217, %dma_wait3A_218] : memref<4x256x1024xf32, #tpu.memory_space<vmem_shared>> -> memref<1x256x1024xf32, #tpu.memory_space<vmem_shared>>
    %dma_wait3A_220 = tpu.memref_squeeze %dma_wait3A_219 : memref<1x256x1024xf32, #tpu.memory_space<vmem_shared>> -> memref<256x1024xf32, #tpu.memory_space<vmem_shared>>
    %dma_wait3A_221 = arith.constant 0 : i32
    %dma_wait3A_222 = tpu.memref_slice %arg1[%add3A_215, %dma_wait3A_221] : memref<8192x1024xf32, #tpu.memory_space<hbm>> -> memref<256x1024xf32, #tpu.memory_space<hbm>>
    tpu.wait_dma2 semaphore(%arg6 : memref<!tpu.dma_semaphore, #tpu.memory_space<semaphore_mem>>) src(%dma_wait3A_222 : memref<256x1024xf32, #tpu.memory_space<hbm>>) dst(%dma_wait3A_220 : memref<256x1024xf32, #tpu.memory_space<vmem_shared>>)
    %add3A_223 = arith.constant 1536 : i32
    %add3A_224 = arith.addi %mul3A_0, %add3A_223 : i32
    %dma_start3A_225 = arith.constant 2 : i32
    %dma_start3A_226 = arith.constant 0 : i32
    %dma_start3A_227 = tpu.memref_slice %arg2[%add3A_224, %dma_start3A_226] : memref<8192x1024xf32, #tpu.memory_space<hbm>> -> memref<256x1024xf32, #tpu.memory_space<hbm>>
    %dma_start3A_228 = arith.constant 0 : i32
    %dma_start3A_229 = arith.constant 0 : i32
    %dma_start3A_230 = tpu.memref_slice %arg3[%dma_start3A_225, %dma_start3A_228, %dma_start3A_229] : memref<4x256x1024xf32, #tpu.memory_space<vmem_shared>> -> memref<1x256x1024xf32, #tpu.memory_space<vmem_shared>>
    %dma_start3A_231 = tpu.memref_squeeze %dma_start3A_230 : memref<1x256x1024xf32, #tpu.memory_space<vmem_shared>> -> memref<256x1024xf32, #tpu.memory_space<vmem_shared>>
    tpu.enqueue_dma source(%dma_start3A_231 : memref<256x1024xf32, #tpu.memory_space<vmem_shared>>) target(%dma_start3A_227 : memref<256x1024xf32, #tpu.memory_space<hbm>>) target_semaphore(%arg10 : memref<!tpu.dma_semaphore, #tpu.memory_space<semaphore_mem>>)
    %add3A_232 = arith.constant 1024 : i32
    %add3A_233 = arith.addi %mul3A_0, %add3A_232 : i32
    %dma_wait3A_234 = arith.constant 0 : i32
    %dma_wait3A_235 = arith.constant 0 : i32
    %dma_wait3A_236 = tpu.memref_slice %arg2[%add3A_233, %dma_wait3A_235] : memref<8192x1024xf32, #tpu.memory_space<hbm>> -> memref<256x1024xf32, #tpu.memory_space<hbm>>
    %dma_wait3A_237 = arith.constant 0 : i32
    %dma_wait3A_238 = arith.constant 0 : i32
    %dma_wait3A_239 = tpu.memref_slice %arg3[%dma_wait3A_234, %dma_wait3A_237, %dma_wait3A_238] : memref<4x256x1024xf32, #tpu.memory_space<vmem_shared>> -> memref<1x256x1024xf32, #tpu.memory_space<vmem_shared>>
    %dma_wait3A_240 = tpu.memref_squeeze %dma_wait3A_239 : memref<1x256x1024xf32, #tpu.memory_space<vmem_shared>> -> memref<256x1024xf32, #tpu.memory_space<vmem_shared>>
    tpu.wait_dma2 semaphore(%arg8 : memref<!tpu.dma_semaphore, #tpu.memory_space<semaphore_mem>>) src(%dma_wait3A_240 : memref<256x1024xf32, #tpu.memory_space<vmem_shared>>) dst(%dma_wait3A_236 : memref<256x1024xf32, #tpu.memory_space<hbm>>)
    %add3A_241 = arith.constant 2048 : i32
    %add3A_242 = arith.addi %mul3A_0, %add3A_241 : i32
    %dma_start3A_243 = arith.constant 0 : i32
    %dma_start3A_244 = arith.constant 0 : i32
    %dma_start3A_245 = arith.constant 0 : i32
    %dma_start3A_246 = tpu.memref_slice %arg3[%dma_start3A_243, %dma_start3A_244, %dma_start3A_245] : memref<4x256x1024xf32, #tpu.memory_space<vmem_shared>> -> memref<1x256x1024xf32, #tpu.memory_space<vmem_shared>>
    %dma_start3A_247 = tpu.memref_squeeze %dma_start3A_246 : memref<1x256x1024xf32, #tpu.memory_space<vmem_shared>> -> memref<256x1024xf32, #tpu.memory_space<vmem_shared>>
    %dma_start3A_248 = arith.constant 0 : i32
    %dma_start3A_249 = tpu.memref_slice %arg1[%add3A_242, %dma_start3A_248] : memref<8192x1024xf32, #tpu.memory_space<hbm>> -> memref<256x1024xf32, #tpu.memory_space<hbm>>
    tpu.enqueue_dma source(%dma_start3A_249 : memref<256x1024xf32, #tpu.memory_space<hbm>>) target(%dma_start3A_247 : memref<256x1024xf32, #tpu.memory_space<vmem_shared>>) target_semaphore(%arg4 : memref<!tpu.dma_semaphore, #tpu.memory_space<semaphore_mem>>)
    %add3A_250 = arith.constant 1792 : i32
    %add3A_251 = arith.addi %mul3A_0, %add3A_250 : i32
    %dma_wait3A_252 = arith.constant 3 : i32
    %dma_wait3A_253 = arith.constant 0 : i32
    %dma_wait3A_254 = arith.constant 0 : i32
    %dma_wait3A_255 = tpu.memref_slice %arg3[%dma_wait3A_252, %dma_wait3A_253, %dma_wait3A_254] : memref<4x256x1024xf32, #tpu.memory_space<vmem_shared>> -> memref<1x256x1024xf32, #tpu.memory_space<vmem_shared>>
    %dma_wait3A_256 = tpu.memref_squeeze %dma_wait3A_255 : memref<1x256x1024xf32, #tpu.memory_space<vmem_shared>> -> memref<256x1024xf32, #tpu.memory_space<vmem_shared>>
    %dma_wait3A_257 = arith.constant 0 : i32
    %dma_wait3A_258 = tpu.memref_slice %arg1[%add3A_251, %dma_wait3A_257] : memref<8192x1024xf32, #tpu.memory_space<hbm>> -> memref<256x1024xf32, #tpu.memory_space<hbm>>
    tpu.wait_dma2 semaphore(%arg7 : memref<!tpu.dma_semaphore, #tpu.memory_space<semaphore_mem>>) src(%dma_wait3A_258 : memref<256x1024xf32, #tpu.memory_space<hbm>>) dst(%dma_wait3A_256 : memref<256x1024xf32, #tpu.memory_space<vmem_shared>>)
    %add3A_259 = arith.constant 1792 : i32
    %add3A_260 = arith.addi %mul3A_0, %add3A_259 : i32
    %dma_start3A_261 = arith.constant 3 : i32
    %dma_start3A_262 = arith.constant 0 : i32
    %dma_start3A_263 = tpu.memref_slice %arg2[%add3A_260, %dma_start3A_262] : memref<8192x1024xf32, #tpu.memory_space<hbm>> -> memref<256x1024xf32, #tpu.memory_space<hbm>>
    %dma_start3A_264 = arith.constant 0 : i32
    %dma_start3A_265 = arith.constant 0 : i32
    %dma_start3A_266 = tpu.memref_slice %arg3[%dma_start3A_261, %dma_start3A_264, %dma_start3A_265] : memref<4x256x1024xf32, #tpu.memory_space<vmem_shared>> -> memref<1x256x1024xf32, #tpu.memory_space<vmem_shared>>
    %dma_start3A_267 = tpu.memref_squeeze %dma_start3A_266 : memref<1x256x1024xf32, #tpu.memory_space<vmem_shared>> -> memref<256x1024xf32, #tpu.memory_space<vmem_shared>>
    tpu.enqueue_dma source(%dma_start3A_267 : memref<256x1024xf32, #tpu.memory_space<vmem_shared>>) target(%dma_start3A_263 : memref<256x1024xf32, #tpu.memory_space<hbm>>) target_semaphore(%arg11 : memref<!tpu.dma_semaphore, #tpu.memory_space<semaphore_mem>>)
    %add3A_268 = arith.constant 1280 : i32
    %add3A_269 = arith.addi %mul3A_0, %add3A_268 : i32
    %dma_wait3A_270 = arith.constant 1 : i32
    %dma_wait3A_271 = arith.constant 0 : i32
    %dma_wait3A_272 = tpu.memref_slice %arg2[%add3A_269, %dma_wait3A_271] : memref<8192x1024xf32, #tpu.memory_space<hbm>> -> memref<256x1024xf32, #tpu.memory_space<hbm>>
    %dma_wait3A_273 = arith.constant 0 : i32
    %dma_wait3A_274 = arith.constant 0 : i32
    %dma_wait3A_275 = tpu.memref_slice %arg3[%dma_wait3A_270, %dma_wait3A_273, %dma_wait3A_274] : memref<4x256x1024xf32, #tpu.memory_space<vmem_shared>> -> memref<1x256x1024xf32, #tpu.memory_space<vmem_shared>>
    %dma_wait3A_276 = tpu.memref_squeeze %dma_wait3A_275 : memref<1x256x1024xf32, #tpu.memory_space<vmem_shared>> -> memref<256x1024xf32, #tpu.memory_space<vmem_shared>>
    tpu.wait_dma2 semaphore(%arg9 : memref<!tpu.dma_semaphore, #tpu.memory_space<semaphore_mem>>) src(%dma_wait3A_276 : memref<256x1024xf32, #tpu.memory_space<vmem_shared>>) dst(%dma_wait3A_272 : memref<256x1024xf32, #tpu.memory_space<hbm>>)
    %add3A_277 = arith.constant 2304 : i32
    %add3A_278 = arith.addi %mul3A_0, %add3A_277 : i32
    %dma_start3A_279 = arith.constant 1 : i32
    %dma_start3A_280 = arith.constant 0 : i32
    %dma_start3A_281 = arith.constant 0 : i32
    %dma_start3A_282 = tpu.memref_slice %arg3[%dma_start3A_279, %dma_start3A_280, %dma_start3A_281] : memref<4x256x1024xf32, #tpu.memory_space<vmem_shared>> -> memref<1x256x1024xf32, #tpu.memory_space<vmem_shared>>
    %dma_start3A_283 = tpu.memref_squeeze %dma_start3A_282 : memref<1x256x1024xf32, #tpu.memory_space<vmem_shared>> -> memref<256x1024xf32, #tpu.memory_space<vmem_shared>>
    %dma_start3A_284 = arith.constant 0 : i32
    %dma_start3A_285 = tpu.memref_slice %arg1[%add3A_278, %dma_start3A_284] : memref<8192x1024xf32, #tpu.memory_space<hbm>> -> memref<256x1024xf32, #tpu.memory_space<hbm>>
    tpu.enqueue_dma source(%dma_start3A_285 : memref<256x1024xf32, #tpu.memory_space<hbm>>) target(%dma_start3A_283 : memref<256x1024xf32, #tpu.memory_space<vmem_shared>>) target_semaphore(%arg5 : memref<!tpu.dma_semaphore, #tpu.memory_space<semaphore_mem>>)
    %add3A_286 = arith.constant 2048 : i32
    %add3A_287 = arith.addi %mul3A_0, %add3A_286 : i32
    %dma_wait3A_288 = arith.constant 0 : i32
    %dma_wait3A_289 = arith.constant 0 : i32
    %dma_wait3A_290 = arith.constant 0 : i32
    %dma_wait3A_291 = tpu.memref_slice %arg3[%dma_wait3A_288, %dma_wait3A_289, %dma_wait3A_290] : memref<4x256x1024xf32, #tpu.memory_space<vmem_shared>> -> memref<1x256x1024xf32, #tpu.memory_space<vmem_shared>>
    %dma_wait3A_292 = tpu.memref_squeeze %dma_wait3A_291 : memref<1x256x1024xf32, #tpu.memory_space<vmem_shared>> -> memref<256x1024xf32, #tpu.memory_space<vmem_shared>>
    %dma_wait3A_293 = arith.constant 0 : i32
    %dma_wait3A_294 = tpu.memref_slice %arg1[%add3A_287, %dma_wait3A_293] : memref<8192x1024xf32, #tpu.memory_space<hbm>> -> memref<256x1024xf32, #tpu.memory_space<hbm>>
    tpu.wait_dma2 semaphore(%arg4 : memref<!tpu.dma_semaphore, #tpu.memory_space<semaphore_mem>>) src(%dma_wait3A_294 : memref<256x1024xf32, #tpu.memory_space<hbm>>) dst(%dma_wait3A_292 : memref<256x1024xf32, #tpu.memory_space<vmem_shared>>)
    %add3A_295 = arith.constant 2048 : i32
    %add3A_296 = arith.addi %mul3A_0, %add3A_295 : i32
    %dma_start3A_297 = arith.constant 0 : i32
    %dma_start3A_298 = arith.constant 0 : i32
    %dma_start3A_299 = tpu.memref_slice %arg2[%add3A_296, %dma_start3A_298] : memref<8192x1024xf32, #tpu.memory_space<hbm>> -> memref<256x1024xf32, #tpu.memory_space<hbm>>
    %dma_start3A_300 = arith.constant 0 : i32
    %dma_start3A_301 = arith.constant 0 : i32
    %dma_start3A_302 = tpu.memref_slice %arg3[%dma_start3A_297, %dma_start3A_300, %dma_start3A_301] : memref<4x256x1024xf32, #tpu.memory_space<vmem_shared>> -> memref<1x256x1024xf32, #tpu.memory_space<vmem_shared>>
    %dma_start3A_303 = tpu.memref_squeeze %dma_start3A_302 : memref<1x256x1024xf32, #tpu.memory_space<vmem_shared>> -> memref<256x1024xf32, #tpu.memory_space<vmem_shared>>
    tpu.enqueue_dma source(%dma_start3A_303 : memref<256x1024xf32, #tpu.memory_space<vmem_shared>>) target(%dma_start3A_299 : memref<256x1024xf32, #tpu.memory_space<hbm>>) target_semaphore(%arg8 : memref<!tpu.dma_semaphore, #tpu.memory_space<semaphore_mem>>)
    %add3A_304 = arith.constant 1536 : i32
    %add3A_305 = arith.addi %mul3A_0, %add3A_304 : i32
    %dma_wait3A_306 = arith.constant 2 : i32
    %dma_wait3A_307 = arith.constant 0 : i32
    %dma_wait3A_308 = tpu.memref_slice %arg2[%add3A_305, %dma_wait3A_307] : memref<8192x1024xf32, #tpu.memory_space<hbm>> -> memref<256x1024xf32, #tpu.memory_space<hbm>>
    %dma_wait3A_309 = arith.constant 0 : i32
    %dma_wait3A_310 = arith.constant 0 : i32
    %dma_wait3A_311 = tpu.memref_slice %arg3[%dma_wait3A_306, %dma_wait3A_309, %dma_wait3A_310] : memref<4x256x1024xf32, #tpu.memory_space<vmem_shared>> -> memref<1x256x1024xf32, #tpu.memory_space<vmem_shared>>
    %dma_wait3A_312 = tpu.memref_squeeze %dma_wait3A_311 : memref<1x256x1024xf32, #tpu.memory_space<vmem_shared>> -> memref<256x1024xf32, #tpu.memory_space<vmem_shared>>
    tpu.wait_dma2 semaphore(%arg10 : memref<!tpu.dma_semaphore, #tpu.memory_space<semaphore_mem>>) src(%dma_wait3A_312 : memref<256x1024xf32, #tpu.memory_space<vmem_shared>>) dst(%dma_wait3A_308 : memref<256x1024xf32, #tpu.memory_space<hbm>>)
    %add3A_313 = arith.constant 2560 : i32
    %add3A_314 = arith.addi %mul3A_0, %add3A_313 : i32
    %dma_start3A_315 = arith.constant 2 : i32
    %dma_start3A_316 = arith.constant 0 : i32
    %dma_start3A_317 = arith.constant 0 : i32
    %dma_start3A_318 = tpu.memref_slice %arg3[%dma_start3A_315, %dma_start3A_316, %dma_start3A_317] : memref<4x256x1024xf32, #tpu.memory_space<vmem_shared>> -> memref<1x256x1024xf32, #tpu.memory_space<vmem_shared>>
    %dma_start3A_319 = tpu.memref_squeeze %dma_start3A_318 : memref<1x256x1024xf32, #tpu.memory_space<vmem_shared>> -> memref<256x1024xf32, #tpu.memory_space<vmem_shared>>
    %dma_start3A_320 = arith.constant 0 : i32
    %dma_start3A_321 = tpu.memref_slice %arg1[%add3A_314, %dma_start3A_320] : memref<8192x1024xf32, #tpu.memory_space<hbm>> -> memref<256x1024xf32, #tpu.memory_space<hbm>>
    tpu.enqueue_dma source(%dma_start3A_321 : memref<256x1024xf32, #tpu.memory_space<hbm>>) target(%dma_start3A_319 : memref<256x1024xf32, #tpu.memory_space<vmem_shared>>) target_semaphore(%arg6 : memref<!tpu.dma_semaphore, #tpu.memory_space<semaphore_mem>>)
    %add3A_322 = arith.constant 2304 : i32
    %add3A_323 = arith.addi %mul3A_0, %add3A_322 : i32
    %dma_wait3A_324 = arith.constant 1 : i32
    %dma_wait3A_325 = arith.constant 0 : i32
    %dma_wait3A_326 = arith.constant 0 : i32
    %dma_wait3A_327 = tpu.memref_slice %arg3[%dma_wait3A_324, %dma_wait3A_325, %dma_wait3A_326] : memref<4x256x1024xf32, #tpu.memory_space<vmem_shared>> -> memref<1x256x1024xf32, #tpu.memory_space<vmem_shared>>
    %dma_wait3A_328 = tpu.memref_squeeze %dma_wait3A_327 : memref<1x256x1024xf32, #tpu.memory_space<vmem_shared>> -> memref<256x1024xf32, #tpu.memory_space<vmem_shared>>
    %dma_wait3A_329 = arith.constant 0 : i32
    %dma_wait3A_330 = tpu.memref_slice %arg1[%add3A_323, %dma_wait3A_329] : memref<8192x1024xf32, #tpu.memory_space<hbm>> -> memref<256x1024xf32, #tpu.memory_space<hbm>>
    tpu.wait_dma2 semaphore(%arg5 : memref<!tpu.dma_semaphore, #tpu.memory_space<semaphore_mem>>) src(%dma_wait3A_330 : memref<256x1024xf32, #tpu.memory_space<hbm>>) dst(%dma_wait3A_328 : memref<256x1024xf32, #tpu.memory_space<vmem_shared>>)
    %add3A_331 = arith.constant 2304 : i32
    %add3A_332 = arith.addi %mul3A_0, %add3A_331 : i32
    %dma_start3A_333 = arith.constant 1 : i32
    %dma_start3A_334 = arith.constant 0 : i32
    %dma_start3A_335 = tpu.memref_slice %arg2[%add3A_332, %dma_start3A_334] : memref<8192x1024xf32, #tpu.memory_space<hbm>> -> memref<256x1024xf32, #tpu.memory_space<hbm>>
    %dma_start3A_336 = arith.constant 0 : i32
    %dma_start3A_337 = arith.constant 0 : i32
    %dma_start3A_338 = tpu.memref_slice %arg3[%dma_start3A_333, %dma_start3A_336, %dma_start3A_337] : memref<4x256x1024xf32, #tpu.memory_space<vmem_shared>> -> memref<1x256x1024xf32, #tpu.memory_space<vmem_shared>>
    %dma_start3A_339 = tpu.memref_squeeze %dma_start3A_338 : memref<1x256x1024xf32, #tpu.memory_space<vmem_shared>> -> memref<256x1024xf32, #tpu.memory_space<vmem_shared>>
    tpu.enqueue_dma source(%dma_start3A_339 : memref<256x1024xf32, #tpu.memory_space<vmem_shared>>) target(%dma_start3A_335 : memref<256x1024xf32, #tpu.memory_space<hbm>>) target_semaphore(%arg9 : memref<!tpu.dma_semaphore, #tpu.memory_space<semaphore_mem>>)
    %add3A_340 = arith.constant 1792 : i32
    %add3A_341 = arith.addi %mul3A_0, %add3A_340 : i32
    %dma_wait3A_342 = arith.constant 3 : i32
    %dma_wait3A_343 = arith.constant 0 : i32
    %dma_wait3A_344 = tpu.memref_slice %arg2[%add3A_341, %dma_wait3A_343] : memref<8192x1024xf32, #tpu.memory_space<hbm>> -> memref<256x1024xf32, #tpu.memory_space<hbm>>
    %dma_wait3A_345 = arith.constant 0 : i32
    %dma_wait3A_346 = arith.constant 0 : i32
    %dma_wait3A_347 = tpu.memref_slice %arg3[%dma_wait3A_342, %dma_wait3A_345, %dma_wait3A_346] : memref<4x256x1024xf32, #tpu.memory_space<vmem_shared>> -> memref<1x256x1024xf32, #tpu.memory_space<vmem_shared>>
    %dma_wait3A_348 = tpu.memref_squeeze %dma_wait3A_347 : memref<1x256x1024xf32, #tpu.memory_space<vmem_shared>> -> memref<256x1024xf32, #tpu.memory_space<vmem_shared>>
    tpu.wait_dma2 semaphore(%arg11 : memref<!tpu.dma_semaphore, #tpu.memory_space<semaphore_mem>>) src(%dma_wait3A_348 : memref<256x1024xf32, #tpu.memory_space<vmem_shared>>) dst(%dma_wait3A_344 : memref<256x1024xf32, #tpu.memory_space<hbm>>)
    %add3A_349 = arith.constant 2816 : i32
    %add3A_350 = arith.addi %mul3A_0, %add3A_349 : i32
    %dma_start3A_351 = arith.constant 3 : i32
    %dma_start3A_352 = arith.constant 0 : i32
    %dma_start3A_353 = arith.constant 0 : i32
    %dma_start3A_354 = tpu.memref_slice %arg3[%dma_start3A_351, %dma_start3A_352, %dma_start3A_353] : memref<4x256x1024xf32, #tpu.memory_space<vmem_shared>> -> memref<1x256x1024xf32, #tpu.memory_space<vmem_shared>>
    %dma_start3A_355 = tpu.memref_squeeze %dma_start3A_354 : memref<1x256x1024xf32, #tpu.memory_space<vmem_shared>> -> memref<256x1024xf32, #tpu.memory_space<vmem_shared>>
    %dma_start3A_356 = arith.constant 0 : i32
    %dma_start3A_357 = tpu.memref_slice %arg1[%add3A_350, %dma_start3A_356] : memref<8192x1024xf32, #tpu.memory_space<hbm>> -> memref<256x1024xf32, #tpu.memory_space<hbm>>
    tpu.enqueue_dma source(%dma_start3A_357 : memref<256x1024xf32, #tpu.memory_space<hbm>>) target(%dma_start3A_355 : memref<256x1024xf32, #tpu.memory_space<vmem_shared>>) target_semaphore(%arg7 : memref<!tpu.dma_semaphore, #tpu.memory_space<semaphore_mem>>)
    %add3A_358 = arith.constant 2560 : i32
    %add3A_359 = arith.addi %mul3A_0, %add3A_358 : i32
    %dma_wait3A_360 = arith.constant 2 : i32
    %dma_wait3A_361 = arith.constant 0 : i32
    %dma_wait3A_362 = arith.constant 0 : i32
    %dma_wait3A_363 = tpu.memref_slice %arg3[%dma_wait3A_360, %dma_wait3A_361, %dma_wait3A_362] : memref<4x256x1024xf32, #tpu.memory_space<vmem_shared>> -> memref<1x256x1024xf32, #tpu.memory_space<vmem_shared>>
    %dma_wait3A_364 = tpu.memref_squeeze %dma_wait3A_363 : memref<1x256x1024xf32, #tpu.memory_space<vmem_shared>> -> memref<256x1024xf32, #tpu.memory_space<vmem_shared>>
    %dma_wait3A_365 = arith.constant 0 : i32
    %dma_wait3A_366 = tpu.memref_slice %arg1[%add3A_359, %dma_wait3A_365] : memref<8192x1024xf32, #tpu.memory_space<hbm>> -> memref<256x1024xf32, #tpu.memory_space<hbm>>
    tpu.wait_dma2 semaphore(%arg6 : memref<!tpu.dma_semaphore, #tpu.memory_space<semaphore_mem>>) src(%dma_wait3A_366 : memref<256x1024xf32, #tpu.memory_space<hbm>>) dst(%dma_wait3A_364 : memref<256x1024xf32, #tpu.memory_space<vmem_shared>>)
    %add3A_367 = arith.constant 2560 : i32
    %add3A_368 = arith.addi %mul3A_0, %add3A_367 : i32
    %dma_start3A_369 = arith.constant 2 : i32
    %dma_start3A_370 = arith.constant 0 : i32
    %dma_start3A_371 = tpu.memref_slice %arg2[%add3A_368, %dma_start3A_370] : memref<8192x1024xf32, #tpu.memory_space<hbm>> -> memref<256x1024xf32, #tpu.memory_space<hbm>>
    %dma_start3A_372 = arith.constant 0 : i32
    %dma_start3A_373 = arith.constant 0 : i32
    %dma_start3A_374 = tpu.memref_slice %arg3[%dma_start3A_369, %dma_start3A_372, %dma_start3A_373] : memref<4x256x1024xf32, #tpu.memory_space<vmem_shared>> -> memref<1x256x1024xf32, #tpu.memory_space<vmem_shared>>
    %dma_start3A_375 = tpu.memref_squeeze %dma_start3A_374 : memref<1x256x1024xf32, #tpu.memory_space<vmem_shared>> -> memref<256x1024xf32, #tpu.memory_space<vmem_shared>>
    tpu.enqueue_dma source(%dma_start3A_375 : memref<256x1024xf32, #tpu.memory_space<vmem_shared>>) target(%dma_start3A_371 : memref<256x1024xf32, #tpu.memory_space<hbm>>) target_semaphore(%arg10 : memref<!tpu.dma_semaphore, #tpu.memory_space<semaphore_mem>>)
    %add3A_376 = arith.constant 2048 : i32
    %add3A_377 = arith.addi %mul3A_0, %add3A_376 : i32
    %dma_wait3A_378 = arith.constant 0 : i32
    %dma_wait3A_379 = arith.constant 0 : i32
    %dma_wait3A_380 = tpu.memref_slice %arg2[%add3A_377, %dma_wait3A_379] : memref<8192x1024xf32, #tpu.memory_space<hbm>> -> memref<256x1024xf32, #tpu.memory_space<hbm>>
    %dma_wait3A_381 = arith.constant 0 : i32
    %dma_wait3A_382 = arith.constant 0 : i32
    %dma_wait3A_383 = tpu.memref_slice %arg3[%dma_wait3A_378, %dma_wait3A_381, %dma_wait3A_382] : memref<4x256x1024xf32, #tpu.memory_space<vmem_shared>> -> memref<1x256x1024xf32, #tpu.memory_space<vmem_shared>>
    %dma_wait3A_384 = tpu.memref_squeeze %dma_wait3A_383 : memref<1x256x1024xf32, #tpu.memory_space<vmem_shared>> -> memref<256x1024xf32, #tpu.memory_space<vmem_shared>>
    tpu.wait_dma2 semaphore(%arg8 : memref<!tpu.dma_semaphore, #tpu.memory_space<semaphore_mem>>) src(%dma_wait3A_384 : memref<256x1024xf32, #tpu.memory_space<vmem_shared>>) dst(%dma_wait3A_380 : memref<256x1024xf32, #tpu.memory_space<hbm>>)
    %add3A_385 = arith.constant 3072 : i32
    %add3A_386 = arith.addi %mul3A_0, %add3A_385 : i32
    %dma_start3A_387 = arith.constant 0 : i32
    %dma_start3A_388 = arith.constant 0 : i32
    %dma_start3A_389 = arith.constant 0 : i32
    %dma_start3A_390 = tpu.memref_slice %arg3[%dma_start3A_387, %dma_start3A_388, %dma_start3A_389] : memref<4x256x1024xf32, #tpu.memory_space<vmem_shared>> -> memref<1x256x1024xf32, #tpu.memory_space<vmem_shared>>
    %dma_start3A_391 = tpu.memref_squeeze %dma_start3A_390 : memref<1x256x1024xf32, #tpu.memory_space<vmem_shared>> -> memref<256x1024xf32, #tpu.memory_space<vmem_shared>>
    %dma_start3A_392 = arith.constant 0 : i32
    %dma_start3A_393 = tpu.memref_slice %arg1[%add3A_386, %dma_start3A_392] : memref<8192x1024xf32, #tpu.memory_space<hbm>> -> memref<256x1024xf32, #tpu.memory_space<hbm>>
    tpu.enqueue_dma source(%dma_start3A_393 : memref<256x1024xf32, #tpu.memory_space<hbm>>) target(%dma_start3A_391 : memref<256x1024xf32, #tpu.memory_space<vmem_shared>>) target_semaphore(%arg4 : memref<!tpu.dma_semaphore, #tpu.memory_space<semaphore_mem>>)
    %add3A_394 = arith.constant 2816 : i32
    %add3A_395 = arith.addi %mul3A_0, %add3A_394 : i32
    %dma_wait3A_396 = arith.constant 3 : i32
    %dma_wait3A_397 = arith.constant 0 : i32
    %dma_wait3A_398 = arith.constant 0 : i32
    %dma_wait3A_399 = tpu.memref_slice %arg3[%dma_wait3A_396, %dma_wait3A_397, %dma_wait3A_398] : memref<4x256x1024xf32, #tpu.memory_space<vmem_shared>> -> memref<1x256x1024xf32, #tpu.memory_space<vmem_shared>>
    %dma_wait3A_400 = tpu.memref_squeeze %dma_wait3A_399 : memref<1x256x1024xf32, #tpu.memory_space<vmem_shared>> -> memref<256x1024xf32, #tpu.memory_space<vmem_shared>>
    %dma_wait3A_401 = arith.constant 0 : i32
    %dma_wait3A_402 = tpu.memref_slice %arg1[%add3A_395, %dma_wait3A_401] : memref<8192x1024xf32, #tpu.memory_space<hbm>> -> memref<256x1024xf32, #tpu.memory_space<hbm>>
    tpu.wait_dma2 semaphore(%arg7 : memref<!tpu.dma_semaphore, #tpu.memory_space<semaphore_mem>>) src(%dma_wait3A_402 : memref<256x1024xf32, #tpu.memory_space<hbm>>) dst(%dma_wait3A_400 : memref<256x1024xf32, #tpu.memory_space<vmem_shared>>)
    %add3A_403 = arith.constant 2816 : i32
    %add3A_404 = arith.addi %mul3A_0, %add3A_403 : i32
    %dma_start3A_405 = arith.constant 3 : i32
    %dma_start3A_406 = arith.constant 0 : i32
    %dma_start3A_407 = tpu.memref_slice %arg2[%add3A_404, %dma_start3A_406] : memref<8192x1024xf32, #tpu.memory_space<hbm>> -> memref<256x1024xf32, #tpu.memory_space<hbm>>
    %dma_start3A_408 = arith.constant 0 : i32
    %dma_start3A_409 = arith.constant 0 : i32
    %dma_start3A_410 = tpu.memref_slice %arg3[%dma_start3A_405, %dma_start3A_408, %dma_start3A_409] : memref<4x256x1024xf32, #tpu.memory_space<vmem_shared>> -> memref<1x256x1024xf32, #tpu.memory_space<vmem_shared>>
    %dma_start3A_411 = tpu.memref_squeeze %dma_start3A_410 : memref<1x256x1024xf32, #tpu.memory_space<vmem_shared>> -> memref<256x1024xf32, #tpu.memory_space<vmem_shared>>
    tpu.enqueue_dma source(%dma_start3A_411 : memref<256x1024xf32, #tpu.memory_space<vmem_shared>>) target(%dma_start3A_407 : memref<256x1024xf32, #tpu.memory_space<hbm>>) target_semaphore(%arg11 : memref<!tpu.dma_semaphore, #tpu.memory_space<semaphore_mem>>)
    %add3A_412 = arith.constant 2304 : i32
    %add3A_413 = arith.addi %mul3A_0, %add3A_412 : i32
    %dma_wait3A_414 = arith.constant 1 : i32
    %dma_wait3A_415 = arith.constant 0 : i32
    %dma_wait3A_416 = tpu.memref_slice %arg2[%add3A_413, %dma_wait3A_415] : memref<8192x1024xf32, #tpu.memory_space<hbm>> -> memref<256x1024xf32, #tpu.memory_space<hbm>>
    %dma_wait3A_417 = arith.constant 0 : i32
    %dma_wait3A_418 = arith.constant 0 : i32
    %dma_wait3A_419 = tpu.memref_slice %arg3[%dma_wait3A_414, %dma_wait3A_417, %dma_wait3A_418] : memref<4x256x1024xf32, #tpu.memory_space<vmem_shared>> -> memref<1x256x1024xf32, #tpu.memory_space<vmem_shared>>
    %dma_wait3A_420 = tpu.memref_squeeze %dma_wait3A_419 : memref<1x256x1024xf32, #tpu.memory_space<vmem_shared>> -> memref<256x1024xf32, #tpu.memory_space<vmem_shared>>
    tpu.wait_dma2 semaphore(%arg9 : memref<!tpu.dma_semaphore, #tpu.memory_space<semaphore_mem>>) src(%dma_wait3A_420 : memref<256x1024xf32, #tpu.memory_space<vmem_shared>>) dst(%dma_wait3A_416 : memref<256x1024xf32, #tpu.memory_space<hbm>>)
    %add3A_421 = arith.constant 3328 : i32
    %add3A_422 = arith.addi %mul3A_0, %add3A_421 : i32
    %dma_start3A_423 = arith.constant 1 : i32
    %dma_start3A_424 = arith.constant 0 : i32
    %dma_start3A_425 = arith.constant 0 : i32
    %dma_start3A_426 = tpu.memref_slice %arg3[%dma_start3A_423, %dma_start3A_424, %dma_start3A_425] : memref<4x256x1024xf32, #tpu.memory_space<vmem_shared>> -> memref<1x256x1024xf32, #tpu.memory_space<vmem_shared>>
    %dma_start3A_427 = tpu.memref_squeeze %dma_start3A_426 : memref<1x256x1024xf32, #tpu.memory_space<vmem_shared>> -> memref<256x1024xf32, #tpu.memory_space<vmem_shared>>
    %dma_start3A_428 = arith.constant 0 : i32
    %dma_start3A_429 = tpu.memref_slice %arg1[%add3A_422, %dma_start3A_428] : memref<8192x1024xf32, #tpu.memory_space<hbm>> -> memref<256x1024xf32, #tpu.memory_space<hbm>>
    tpu.enqueue_dma source(%dma_start3A_429 : memref<256x1024xf32, #tpu.memory_space<hbm>>) target(%dma_start3A_427 : memref<256x1024xf32, #tpu.memory_space<vmem_shared>>) target_semaphore(%arg5 : memref<!tpu.dma_semaphore, #tpu.memory_space<semaphore_mem>>)
    %add3A_430 = arith.constant 3072 : i32
    %add3A_431 = arith.addi %mul3A_0, %add3A_430 : i32
    %dma_wait3A_432 = arith.constant 0 : i32
    %dma_wait3A_433 = arith.constant 0 : i32
    %dma_wait3A_434 = arith.constant 0 : i32
    %dma_wait3A_435 = tpu.memref_slice %arg3[%dma_wait3A_432, %dma_wait3A_433, %dma_wait3A_434] : memref<4x256x1024xf32, #tpu.memory_space<vmem_shared>> -> memref<1x256x1024xf32, #tpu.memory_space<vmem_shared>>
    %dma_wait3A_436 = tpu.memref_squeeze %dma_wait3A_435 : memref<1x256x1024xf32, #tpu.memory_space<vmem_shared>> -> memref<256x1024xf32, #tpu.memory_space<vmem_shared>>
    %dma_wait3A_437 = arith.constant 0 : i32
    %dma_wait3A_438 = tpu.memref_slice %arg1[%add3A_431, %dma_wait3A_437] : memref<8192x1024xf32, #tpu.memory_space<hbm>> -> memref<256x1024xf32, #tpu.memory_space<hbm>>
    tpu.wait_dma2 semaphore(%arg4 : memref<!tpu.dma_semaphore, #tpu.memory_space<semaphore_mem>>) src(%dma_wait3A_438 : memref<256x1024xf32, #tpu.memory_space<hbm>>) dst(%dma_wait3A_436 : memref<256x1024xf32, #tpu.memory_space<vmem_shared>>)
    %add3A_439 = arith.constant 3072 : i32
    %add3A_440 = arith.addi %mul3A_0, %add3A_439 : i32
    %dma_start3A_441 = arith.constant 0 : i32
    %dma_start3A_442 = arith.constant 0 : i32
    %dma_start3A_443 = tpu.memref_slice %arg2[%add3A_440, %dma_start3A_442] : memref<8192x1024xf32, #tpu.memory_space<hbm>> -> memref<256x1024xf32, #tpu.memory_space<hbm>>
    %dma_start3A_444 = arith.constant 0 : i32
    %dma_start3A_445 = arith.constant 0 : i32
    %dma_start3A_446 = tpu.memref_slice %arg3[%dma_start3A_441, %dma_start3A_444, %dma_start3A_445] : memref<4x256x1024xf32, #tpu.memory_space<vmem_shared>> -> memref<1x256x1024xf32, #tpu.memory_space<vmem_shared>>
    %dma_start3A_447 = tpu.memref_squeeze %dma_start3A_446 : memref<1x256x1024xf32, #tpu.memory_space<vmem_shared>> -> memref<256x1024xf32, #tpu.memory_space<vmem_shared>>
    tpu.enqueue_dma source(%dma_start3A_447 : memref<256x1024xf32, #tpu.memory_space<vmem_shared>>) target(%dma_start3A_443 : memref<256x1024xf32, #tpu.memory_space<hbm>>) target_semaphore(%arg8 : memref<!tpu.dma_semaphore, #tpu.memory_space<semaphore_mem>>)
    %add3A_448 = arith.constant 2560 : i32
    %add3A_449 = arith.addi %mul3A_0, %add3A_448 : i32
    %dma_wait3A_450 = arith.constant 2 : i32
    %dma_wait3A_451 = arith.constant 0 : i32
    %dma_wait3A_452 = tpu.memref_slice %arg2[%add3A_449, %dma_wait3A_451] : memref<8192x1024xf32, #tpu.memory_space<hbm>> -> memref<256x1024xf32, #tpu.memory_space<hbm>>
    %dma_wait3A_453 = arith.constant 0 : i32
    %dma_wait3A_454 = arith.constant 0 : i32
    %dma_wait3A_455 = tpu.memref_slice %arg3[%dma_wait3A_450, %dma_wait3A_453, %dma_wait3A_454] : memref<4x256x1024xf32, #tpu.memory_space<vmem_shared>> -> memref<1x256x1024xf32, #tpu.memory_space<vmem_shared>>
    %dma_wait3A_456 = tpu.memref_squeeze %dma_wait3A_455 : memref<1x256x1024xf32, #tpu.memory_space<vmem_shared>> -> memref<256x1024xf32, #tpu.memory_space<vmem_shared>>
    tpu.wait_dma2 semaphore(%arg10 : memref<!tpu.dma_semaphore, #tpu.memory_space<semaphore_mem>>) src(%dma_wait3A_456 : memref<256x1024xf32, #tpu.memory_space<vmem_shared>>) dst(%dma_wait3A_452 : memref<256x1024xf32, #tpu.memory_space<hbm>>)
    %add3A_457 = arith.constant 3584 : i32
    %add3A_458 = arith.addi %mul3A_0, %add3A_457 : i32
    %dma_start3A_459 = arith.constant 2 : i32
    %dma_start3A_460 = arith.constant 0 : i32
    %dma_start3A_461 = arith.constant 0 : i32
    %dma_start3A_462 = tpu.memref_slice %arg3[%dma_start3A_459, %dma_start3A_460, %dma_start3A_461] : memref<4x256x1024xf32, #tpu.memory_space<vmem_shared>> -> memref<1x256x1024xf32, #tpu.memory_space<vmem_shared>>
    %dma_start3A_463 = tpu.memref_squeeze %dma_start3A_462 : memref<1x256x1024xf32, #tpu.memory_space<vmem_shared>> -> memref<256x1024xf32, #tpu.memory_space<vmem_shared>>
    %dma_start3A_464 = arith.constant 0 : i32
    %dma_start3A_465 = tpu.memref_slice %arg1[%add3A_458, %dma_start3A_464] : memref<8192x1024xf32, #tpu.memory_space<hbm>> -> memref<256x1024xf32, #tpu.memory_space<hbm>>
    tpu.enqueue_dma source(%dma_start3A_465 : memref<256x1024xf32, #tpu.memory_space<hbm>>) target(%dma_start3A_463 : memref<256x1024xf32, #tpu.memory_space<vmem_shared>>) target_semaphore(%arg6 : memref<!tpu.dma_semaphore, #tpu.memory_space<semaphore_mem>>)
    %add3A_466 = arith.constant 3328 : i32
    %add3A_467 = arith.addi %mul3A_0, %add3A_466 : i32
    %dma_wait3A_468 = arith.constant 1 : i32
    %dma_wait3A_469 = arith.constant 0 : i32
    %dma_wait3A_470 = arith.constant 0 : i32
    %dma_wait3A_471 = tpu.memref_slice %arg3[%dma_wait3A_468, %dma_wait3A_469, %dma_wait3A_470] : memref<4x256x1024xf32, #tpu.memory_space<vmem_shared>> -> memref<1x256x1024xf32, #tpu.memory_space<vmem_shared>>
    %dma_wait3A_472 = tpu.memref_squeeze %dma_wait3A_471 : memref<1x256x1024xf32, #tpu.memory_space<vmem_shared>> -> memref<256x1024xf32, #tpu.memory_space<vmem_shared>>
    %dma_wait3A_473 = arith.constant 0 : i32
    %dma_wait3A_474 = tpu.memref_slice %arg1[%add3A_467, %dma_wait3A_473] : memref<8192x1024xf32, #tpu.memory_space<hbm>> -> memref<256x1024xf32, #tpu.memory_space<hbm>>
    tpu.wait_dma2 semaphore(%arg5 : memref<!tpu.dma_semaphore, #tpu.memory_space<semaphore_mem>>) src(%dma_wait3A_474 : memref<256x1024xf32, #tpu.memory_space<hbm>>) dst(%dma_wait3A_472 : memref<256x1024xf32, #tpu.memory_space<vmem_shared>>)
    %add3A_475 = arith.constant 3328 : i32
    %add3A_476 = arith.addi %mul3A_0, %add3A_475 : i32
    %dma_start3A_477 = arith.constant 1 : i32
    %dma_start3A_478 = arith.constant 0 : i32
    %dma_start3A_479 = tpu.memref_slice %arg2[%add3A_476, %dma_start3A_478] : memref<8192x1024xf32, #tpu.memory_space<hbm>> -> memref<256x1024xf32, #tpu.memory_space<hbm>>
    %dma_start3A_480 = arith.constant 0 : i32
    %dma_start3A_481 = arith.constant 0 : i32
    %dma_start3A_482 = tpu.memref_slice %arg3[%dma_start3A_477, %dma_start3A_480, %dma_start3A_481] : memref<4x256x1024xf32, #tpu.memory_space<vmem_shared>> -> memref<1x256x1024xf32, #tpu.memory_space<vmem_shared>>
    %dma_start3A_483 = tpu.memref_squeeze %dma_start3A_482 : memref<1x256x1024xf32, #tpu.memory_space<vmem_shared>> -> memref<256x1024xf32, #tpu.memory_space<vmem_shared>>
    tpu.enqueue_dma source(%dma_start3A_483 : memref<256x1024xf32, #tpu.memory_space<vmem_shared>>) target(%dma_start3A_479 : memref<256x1024xf32, #tpu.memory_space<hbm>>) target_semaphore(%arg9 : memref<!tpu.dma_semaphore, #tpu.memory_space<semaphore_mem>>)
    %add3A_484 = arith.constant 2816 : i32
    %add3A_485 = arith.addi %mul3A_0, %add3A_484 : i32
    %dma_wait3A_486 = arith.constant 3 : i32
    %dma_wait3A_487 = arith.constant 0 : i32
    %dma_wait3A_488 = tpu.memref_slice %arg2[%add3A_485, %dma_wait3A_487] : memref<8192x1024xf32, #tpu.memory_space<hbm>> -> memref<256x1024xf32, #tpu.memory_space<hbm>>
    %dma_wait3A_489 = arith.constant 0 : i32
    %dma_wait3A_490 = arith.constant 0 : i32
    %dma_wait3A_491 = tpu.memref_slice %arg3[%dma_wait3A_486, %dma_wait3A_489, %dma_wait3A_490] : memref<4x256x1024xf32, #tpu.memory_space<vmem_shared>> -> memref<1x256x1024xf32, #tpu.memory_space<vmem_shared>>
    %dma_wait3A_492 = tpu.memref_squeeze %dma_wait3A_491 : memref<1x256x1024xf32, #tpu.memory_space<vmem_shared>> -> memref<256x1024xf32, #tpu.memory_space<vmem_shared>>
    tpu.wait_dma2 semaphore(%arg11 : memref<!tpu.dma_semaphore, #tpu.memory_space<semaphore_mem>>) src(%dma_wait3A_492 : memref<256x1024xf32, #tpu.memory_space<vmem_shared>>) dst(%dma_wait3A_488 : memref<256x1024xf32, #tpu.memory_space<hbm>>)
    %add3A_493 = arith.constant 3840 : i32
    %add3A_494 = arith.addi %mul3A_0, %add3A_493 : i32
    %dma_start3A_495 = arith.constant 3 : i32
    %dma_start3A_496 = arith.constant 0 : i32
    %dma_start3A_497 = arith.constant 0 : i32
    %dma_start3A_498 = tpu.memref_slice %arg3[%dma_start3A_495, %dma_start3A_496, %dma_start3A_497] : memref<4x256x1024xf32, #tpu.memory_space<vmem_shared>> -> memref<1x256x1024xf32, #tpu.memory_space<vmem_shared>>
    %dma_start3A_499 = tpu.memref_squeeze %dma_start3A_498 : memref<1x256x1024xf32, #tpu.memory_space<vmem_shared>> -> memref<256x1024xf32, #tpu.memory_space<vmem_shared>>
    %dma_start3A_500 = arith.constant 0 : i32
    %dma_start3A_501 = tpu.memref_slice %arg1[%add3A_494, %dma_start3A_500] : memref<8192x1024xf32, #tpu.memory_space<hbm>> -> memref<256x1024xf32, #tpu.memory_space<hbm>>
    tpu.enqueue_dma source(%dma_start3A_501 : memref<256x1024xf32, #tpu.memory_space<hbm>>) target(%dma_start3A_499 : memref<256x1024xf32, #tpu.memory_space<vmem_shared>>) target_semaphore(%arg7 : memref<!tpu.dma_semaphore, #tpu.memory_space<semaphore_mem>>)
    %add3A_502 = arith.constant 3584 : i32
    %add3A_503 = arith.addi %mul3A_0, %add3A_502 : i32
    %dma_wait3A_504 = arith.constant 2 : i32
    %dma_wait3A_505 = arith.constant 0 : i32
    %dma_wait3A_506 = arith.constant 0 : i32
    %dma_wait3A_507 = tpu.memref_slice %arg3[%dma_wait3A_504, %dma_wait3A_505, %dma_wait3A_506] : memref<4x256x1024xf32, #tpu.memory_space<vmem_shared>> -> memref<1x256x1024xf32, #tpu.memory_space<vmem_shared>>
    %dma_wait3A_508 = tpu.memref_squeeze %dma_wait3A_507 : memref<1x256x1024xf32, #tpu.memory_space<vmem_shared>> -> memref<256x1024xf32, #tpu.memory_space<vmem_shared>>
    %dma_wait3A_509 = arith.constant 0 : i32
    %dma_wait3A_510 = tpu.memref_slice %arg1[%add3A_503, %dma_wait3A_509] : memref<8192x1024xf32, #tpu.memory_space<hbm>> -> memref<256x1024xf32, #tpu.memory_space<hbm>>
    tpu.wait_dma2 semaphore(%arg6 : memref<!tpu.dma_semaphore, #tpu.memory_space<semaphore_mem>>) src(%dma_wait3A_510 : memref<256x1024xf32, #tpu.memory_space<hbm>>) dst(%dma_wait3A_508 : memref<256x1024xf32, #tpu.memory_space<vmem_shared>>)
    %add3A_511 = arith.constant 3584 : i32
    %add3A_512 = arith.addi %mul3A_0, %add3A_511 : i32
    %dma_start3A_513 = arith.constant 2 : i32
    %dma_start3A_514 = arith.constant 0 : i32
    %dma_start3A_515 = tpu.memref_slice %arg2[%add3A_512, %dma_start3A_514] : memref<8192x1024xf32, #tpu.memory_space<hbm>> -> memref<256x1024xf32, #tpu.memory_space<hbm>>
    %dma_start3A_516 = arith.constant 0 : i32
    %dma_start3A_517 = arith.constant 0 : i32
    %dma_start3A_518 = tpu.memref_slice %arg3[%dma_start3A_513, %dma_start3A_516, %dma_start3A_517] : memref<4x256x1024xf32, #tpu.memory_space<vmem_shared>> -> memref<1x256x1024xf32, #tpu.memory_space<vmem_shared>>
    %dma_start3A_519 = tpu.memref_squeeze %dma_start3A_518 : memref<1x256x1024xf32, #tpu.memory_space<vmem_shared>> -> memref<256x1024xf32, #tpu.memory_space<vmem_shared>>
    tpu.enqueue_dma source(%dma_start3A_519 : memref<256x1024xf32, #tpu.memory_space<vmem_shared>>) target(%dma_start3A_515 : memref<256x1024xf32, #tpu.memory_space<hbm>>) target_semaphore(%arg10 : memref<!tpu.dma_semaphore, #tpu.memory_space<semaphore_mem>>)
    %add3A_520 = arith.constant 3072 : i32
    %add3A_521 = arith.addi %mul3A_0, %add3A_520 : i32
    %dma_wait3A_522 = arith.constant 0 : i32
    %dma_wait3A_523 = arith.constant 0 : i32
    %dma_wait3A_524 = tpu.memref_slice %arg2[%add3A_521, %dma_wait3A_523] : memref<8192x1024xf32, #tpu.memory_space<hbm>> -> memref<256x1024xf32, #tpu.memory_space<hbm>>
    %dma_wait3A_525 = arith.constant 0 : i32
    %dma_wait3A_526 = arith.constant 0 : i32
    %dma_wait3A_527 = tpu.memref_slice %arg3[%dma_wait3A_522, %dma_wait3A_525, %dma_wait3A_526] : memref<4x256x1024xf32, #tpu.memory_space<vmem_shared>> -> memref<1x256x1024xf32, #tpu.memory_space<vmem_shared>>
    %dma_wait3A_528 = tpu.memref_squeeze %dma_wait3A_527 : memref<1x256x1024xf32, #tpu.memory_space<vmem_shared>> -> memref<256x1024xf32, #tpu.memory_space<vmem_shared>>
    tpu.wait_dma2 semaphore(%arg8 : memref<!tpu.dma_semaphore, #tpu.memory_space<semaphore_mem>>) src(%dma_wait3A_528 : memref<256x1024xf32, #tpu.memory_space<vmem_shared>>) dst(%dma_wait3A_524 : memref<256x1024xf32, #tpu.memory_space<hbm>>)
    %add3A_529 = arith.constant 3840 : i32
    %add3A_530 = arith.addi %mul3A_0, %add3A_529 : i32
    %dma_wait3A_531 = arith.constant 3 : i32
    %dma_wait3A_532 = arith.constant 0 : i32
    %dma_wait3A_533 = arith.constant 0 : i32
    %dma_wait3A_534 = tpu.memref_slice %arg3[%dma_wait3A_531, %dma_wait3A_532, %dma_wait3A_533] : memref<4x256x1024xf32, #tpu.memory_space<vmem_shared>> -> memref<1x256x1024xf32, #tpu.memory_space<vmem_shared>>
    %dma_wait3A_535 = tpu.memref_squeeze %dma_wait3A_534 : memref<1x256x1024xf32, #tpu.memory_space<vmem_shared>> -> memref<256x1024xf32, #tpu.memory_space<vmem_shared>>
    %dma_wait3A_536 = arith.constant 0 : i32
    %dma_wait3A_537 = tpu.memref_slice %arg1[%add3A_530, %dma_wait3A_536] : memref<8192x1024xf32, #tpu.memory_space<hbm>> -> memref<256x1024xf32, #tpu.memory_space<hbm>>
    tpu.wait_dma2 semaphore(%arg7 : memref<!tpu.dma_semaphore, #tpu.memory_space<semaphore_mem>>) src(%dma_wait3A_537 : memref<256x1024xf32, #tpu.memory_space<hbm>>) dst(%dma_wait3A_535 : memref<256x1024xf32, #tpu.memory_space<vmem_shared>>)
    %add3A_538 = arith.constant 3840 : i32
    %add3A_539 = arith.addi %mul3A_0, %add3A_538 : i32
    %dma_start3A_540 = arith.constant 3 : i32
    %dma_start3A_541 = arith.constant 0 : i32
    %dma_start3A_542 = tpu.memref_slice %arg2[%add3A_539, %dma_start3A_541] : memref<8192x1024xf32, #tpu.memory_space<hbm>> -> memref<256x1024xf32, #tpu.memory_space<hbm>>
    %dma_start3A_543 = arith.constant 0 : i32
    %dma_start3A_544 = arith.constant 0 : i32
    %dma_start3A_545 = tpu.memref_slice %arg3[%dma_start3A_540, %dma_start3A_543, %dma_start3A_544] : memref<4x256x1024xf32, #tpu.memory_space<vmem_shared>> -> memref<1x256x1024xf32, #tpu.memory_space<vmem_shared>>
    %dma_start3A_546 = tpu.memref_squeeze %dma_start3A_545 : memref<1x256x1024xf32, #tpu.memory_space<vmem_shared>> -> memref<256x1024xf32, #tpu.memory_space<vmem_shared>>
    tpu.enqueue_dma source(%dma_start3A_546 : memref<256x1024xf32, #tpu.memory_space<vmem_shared>>) target(%dma_start3A_542 : memref<256x1024xf32, #tpu.memory_space<hbm>>) target_semaphore(%arg11 : memref<!tpu.dma_semaphore, #tpu.memory_space<semaphore_mem>>)
    %add3A_547 = arith.constant 3328 : i32
    %add3A_548 = arith.addi %mul3A_0, %add3A_547 : i32
    %dma_wait3A_549 = arith.constant 1 : i32
    %dma_wait3A_550 = arith.constant 0 : i32
    %dma_wait3A_551 = tpu.memref_slice %arg2[%add3A_548, %dma_wait3A_550] : memref<8192x1024xf32, #tpu.memory_space<hbm>> -> memref<256x1024xf32, #tpu.memory_space<hbm>>
    %dma_wait3A_552 = arith.constant 0 : i32
    %dma_wait3A_553 = arith.constant 0 : i32
    %dma_wait3A_554 = tpu.memref_slice %arg3[%dma_wait3A_549, %dma_wait3A_552, %dma_wait3A_553] : memref<4x256x1024xf32, #tpu.memory_space<vmem_shared>> -> memref<1x256x1024xf32, #tpu.memory_space<vmem_shared>>
    %dma_wait3A_555 = tpu.memref_squeeze %dma_wait3A_554 : memref<1x256x1024xf32, #tpu.memory_space<vmem_shared>> -> memref<256x1024xf32, #tpu.memory_space<vmem_shared>>
    tpu.wait_dma2 semaphore(%arg9 : memref<!tpu.dma_semaphore, #tpu.memory_space<semaphore_mem>>) src(%dma_wait3A_555 : memref<256x1024xf32, #tpu.memory_space<vmem_shared>>) dst(%dma_wait3A_551 : memref<256x1024xf32, #tpu.memory_space<hbm>>)
    %add3A_556 = arith.constant 3584 : i32
    %add3A_557 = arith.addi %mul3A_0, %add3A_556 : i32
    %dma_wait3A_558 = arith.constant 2 : i32
    %dma_wait3A_559 = arith.constant 0 : i32
    %dma_wait3A_560 = tpu.memref_slice %arg2[%add3A_557, %dma_wait3A_559] : memref<8192x1024xf32, #tpu.memory_space<hbm>> -> memref<256x1024xf32, #tpu.memory_space<hbm>>
    %dma_wait3A_561 = arith.constant 0 : i32
    %dma_wait3A_562 = arith.constant 0 : i32
    %dma_wait3A_563 = tpu.memref_slice %arg3[%dma_wait3A_558, %dma_wait3A_561, %dma_wait3A_562] : memref<4x256x1024xf32, #tpu.memory_space<vmem_shared>> -> memref<1x256x1024xf32, #tpu.memory_space<vmem_shared>>
    %dma_wait3A_564 = tpu.memref_squeeze %dma_wait3A_563 : memref<1x256x1024xf32, #tpu.memory_space<vmem_shared>> -> memref<256x1024xf32, #tpu.memory_space<vmem_shared>>
    tpu.wait_dma2 semaphore(%arg10 : memref<!tpu.dma_semaphore, #tpu.memory_space<semaphore_mem>>) src(%dma_wait3A_564 : memref<256x1024xf32, #tpu.memory_space<vmem_shared>>) dst(%dma_wait3A_560 : memref<256x1024xf32, #tpu.memory_space<hbm>>)
    %add3A_565 = arith.constant 3840 : i32
    %add3A_566 = arith.addi %mul3A_0, %add3A_565 : i32
    %dma_wait3A_567 = arith.constant 3 : i32
    %dma_wait3A_568 = arith.constant 0 : i32
    %dma_wait3A_569 = tpu.memref_slice %arg2[%add3A_566, %dma_wait3A_568] : memref<8192x1024xf32, #tpu.memory_space<hbm>> -> memref<256x1024xf32, #tpu.memory_space<hbm>>
    %dma_wait3A_570 = arith.constant 0 : i32
    %dma_wait3A_571 = arith.constant 0 : i32
    %dma_wait3A_572 = tpu.memref_slice %arg3[%dma_wait3A_567, %dma_wait3A_570, %dma_wait3A_571] : memref<4x256x1024xf32, #tpu.memory_space<vmem_shared>> -> memref<1x256x1024xf32, #tpu.memory_space<vmem_shared>>
    %dma_wait3A_573 = tpu.memref_squeeze %dma_wait3A_572 : memref<1x256x1024xf32, #tpu.memory_space<vmem_shared>> -> memref<256x1024xf32, #tpu.memory_space<vmem_shared>>
    tpu.wait_dma2 semaphore(%arg11 : memref<!tpu.dma_semaphore, #tpu.memory_space<semaphore_mem>>) src(%dma_wait3A_573 : memref<256x1024xf32, #tpu.memory_space<vmem_shared>>) dst(%dma_wait3A_569 : memref<256x1024xf32, #tpu.memory_space<hbm>>)
    return
  }
}

</mosaic_0001>

<sc_bundles>
// kernel: kernel.3.cloned.1.call-start
scs
__scs_entry_jumppad:
0x0: {  	(pc) =	sbr.rel $0x88, $3  }
0x1: {  	(tag) =	ssettag $0x0;
	lr =	simm.s32 $0x1  }
0x2: {  	[smem:$0x3FA0] =	sst lr;
	_ =	strace $0xD0000000  }
0x3: {  	_ = 	snop  }
0x4: {  	_ = 	snop  }
0x5: {  	_ = 	snop  }
0x6: {  	_ = 	snop  }
0x7: {  	_ = 	snop  }
__scs_overlays_trampoline_lowered:
0x8: {  	[smem:$0x3FAF] =	sst s0  }
0x9: {  	[smem:$0x3FB0] =	sst s1  }
0xa: {  	[smem:$0x3FB1] =	sst s2  }
0xb: {  	[smem:$0x3FB2] =	sst s3  }
0xc: {  	[smem:$0x3FB3] =	sst s4  }
0xd: {  	[smem:$0x3FB4] =	sst s5  }
0xe: {  	[smem:$0x3FB5] =	sst s6  }
0xf: {  	[smem:$0x3FB6] =	sst s7  }
0x10: {  	[smem:$0x3FB7] =	sst s8  }
0x11: {  	[smem:$0x3FB8] =	sst s9;
	s0 =	simm.s32 @!p0 $0x0  }
0x12: {  	s1 =	sld [smem:$0x3F9E];
	s0 =	simm.s32 @p0 $0x1  }
0x13: {  	[smem:$0x3FB9] =	sst s0;
	s0 =	simm.s32 @!p1 $0x0  }
0x14: {  	s2 =	sld [smem:$0x3F9D];
	s0 =	simm.s32 @p1 $0x1  }
0x15: {  	[smem:$0x3FBA] =	sst s0;
	s0 =	simm.s32 @!p2 $0x0  }
0x16: {  	s3 =	sld [smem:$0x3FDB];
	s0 =	simm.s32 @p2 $0x1  }
0x17: {  	s4 =	simm.s32 $0x1BF5;
	[smem:$0x3FBC] =	sst s0  }
0x18: {  	s0 =	sld [smem:$0x3F9F];
	_ =	swait.ge [sflag:s4], $0x0  }
0x19: {  	s7 =	sld [smem:$0x3FA0]  }
0x1a: {  	s8 =	sadd.s32 $0xFFFFE003, lr  }
0x1b: {  	s9 =	sadd.s32 $0xFFFFFEF7, lr;
	s5 =	simm.s32 $0xFFFFFFFF;
	p2 =	slt.u32 s8, $0xFFFFF086  }
0x1c: {  	p1 =	slt.u32 s9, $0xF7A;
	s5 =	simm.s32 @!p2 $0x0  }
0x1d: {  	s5 =	simm.s32 @p1 $0x1;
	p0 =	seq.s32 s7, s2  }
0x1e: {  	s7 =	smul.u32 @!p0 $0xF7A, s2;
	p2 =	seq.s32 @!p0 s5, $0x0  }
0x1f: {  	s9 =	smul.u32 $0xF7A, s1;
	s8 =	simm.s32 @!p0 $0x1BF5;
	p2 =	por !p2, p0  }
0x20: {  	[sflag:s8] =	ssyncset.s32 @!p0 $0xFFFFF086;
	s6 =	sadd.s32 @!p0 s3, s7;
	s7 =	simm.s32 @!p0 $0x108  }
0x21: {  	s3 =	sadd.s32 s3, s9;
	s6 =	sadd.s32 @!p0 $0x88, s6;
	s7 =	simm.s32 @p2 $0x1082  }
0x22: {  	[simem:s7], [sflag:s8] =	dma.local @!p0 [hbm:s6], $0xF7A  }
0x23: {  	s9 =	sor.u32 $0xD0000000, s2;
	s6 =	simm.s32 $0x108;
	_ =	swait.ge @!p0 [sflag:s8], $0x0  }
0x24: {  	s3 =	sadd.s32 $0x88, s3;
	s6 =	simm.s32 @!p1 $0x1082;
	[sflag:s4] =	ssyncset.s32 $0xFFFFF086  }
0x25: {  	[simem:s6], [sflag:s4] =	dma.local [hbm:s3], $0xF7A  }
0x26: {  	[smem:$0x3FA0] =	sst s1;
	(tag) =	ssettag s2;
	_ =	strace s9  }
0x27: {  	s1 =	sld [smem:$0x3FB0]  }
0x28: {  	s2 =	sld [smem:$0x3FB1]  }
0x29: {  	s4 =	sld [smem:$0x3FB3]  }
0x2a: {  	p0 =	seq.s32 s5, $0x0;
	s5 =	sld [smem:$0x3FB4]  }
0x2b: {  	s6 =	sld [smem:$0x3FB5]  }
0x2c: {  	s7 =	sld [smem:$0x3FB6]  }
0x2d: {  	s3 =	simm.s32 $0x108;
	s8 =	sld [smem:$0x3FB7]  }
0x2e: {  	s3 =	simm.s32 @!p0 $0x1082;
	s9 =	sld [smem:$0x3FB8]  }
0x2f: {  	lr =	sadd.s32 s0, s3;
	s0 =	sld [smem:$0x3FAF]  }
0x30: {  	s3 =	sld [smem:$0x3FB2]  }
0x31: {  	[smem:$0x3FBB] =	sst s10  }
0x32: {  	s10 =	sld [smem:$0x3FB9];
	_ =	sdelay $0x3  }
0x33: {  	p0 =	seq.s32 s10, $0x1;
	s10 =	sld [smem:$0x3FBB];
	_ =	sdelay $0x3  }
0x34: {  	[smem:$0x3FBB] =	sst s10  }
0x35: {  	s10 =	sld [smem:$0x3FBA];
	_ =	sdelay $0x3  }
0x36: {  	p1 =	seq.s32 s10, $0x1;
	s10 =	sld [smem:$0x3FBB];
	_ =	sdelay $0x3  }
0x37: {  	[smem:$0x3FBB] =	sst s10  }
0x38: {  	s10 =	sld [smem:$0x3FBC]  }
0x39: {  	_ = 	snop;
	(pc) =	sbr.ind lr, $3  }
0x3a: {  	_ = 	snop  }
0x3b: {  	_ = 	snop  }
0x3c: {  	p2 =	seq.s32 s10, $0x1;
	s10 =	sld [smem:$0x3FBB]  }
0x3d: {  	_ =	shalt  }
0x3e: {  	_ =	shalt  }
0x3f: {  	_ =	shalt  }
0x40: {  	_ =	shalt  }
0x41: {  	_ =	shalt  }
0x42: {  	_ =	shalt  }
0x43: {  	_ =	shalt  }
0x44: {  	_ =	shalt  }
0x45: {  	_ =	shalt  }
0x46: {  	_ =	shalt  }
0x47: {  	_ =	shalt  }
0x48: {  	_ =	shalt  }
0x49: {  	_ =	shalt  }
0x4a: {  	_ =	shalt  }
0x4b: {  	_ =	shalt  }
0x4c: {  	_ =	shalt  }
0x4d: {  	_ =	shalt  }
0x4e: {  	_ =	shalt  }
0x4f: {  	_ =	shalt  }
0x50: {  	_ =	shalt  }
0x51: {  	_ =	shalt  }
0x52: {  	_ =	shalt  }
0x53: {  	_ =	shalt  }
0x54: {  	_ =	shalt  }
0x55: {  	_ =	shalt  }
0x56: {  	_ =	shalt  }
0x57: {  	_ =	shalt  }
0x58: {  	_ =	shalt  }
0x59: {  	_ =	shalt  }
0x5a: {  	_ =	shalt  }
0x5b: {  	_ =	shalt  }
0x5c: {  	_ =	shalt  }
0x5d: {  	_ =	shalt  }
0x5e: {  	_ =	shalt  }
0x5f: {  	_ =	shalt  }
0x60: {  	_ =	shalt  }
0x61: {  	_ =	shalt  }
0x62: {  	_ =	shalt  }
0x63: {  	_ =	shalt  }
0x64: {  	_ =	shalt  }
0x65: {  	_ =	shalt  }
0x66: {  	_ =	shalt  }
0x67: {  	_ =	shalt  }
0x68: {  	_ =	shalt  }
0x69: {  	_ =	shalt  }
0x6a: {  	_ =	shalt  }
0x6b: {  	_ =	shalt  }
0x6c: {  	_ =	shalt  }
0x6d: {  	_ =	shalt  }
0x6e: {  	_ =	shalt  }
0x6f: {  	_ =	shalt  }
0x70: {  	_ =	shalt  }
0x71: {  	_ =	shalt  }
0x72: {  	_ =	shalt  }
0x73: {  	_ =	shalt  }
0x74: {  	_ =	shalt  }
0x75: {  	_ =	shalt  }
0x76: {  	_ =	shalt  }
0x77: {  	_ =	shalt  }
0x78: {  	_ =	shalt  }
0x79: {  	_ =	shalt  }
0x7a: {  	_ =	shalt  }
0x7b: {  	_ =	shalt  }
0x7c: {  	_ =	shalt  }
0x7d: {  	_ =	shalt  }
0x7e: {  	_ =	shalt  }
0x7f: {  	_ =	shalt  }
0x80: {  	_ =	shalt  }
0x81: {  	_ =	shalt  }
0x82: {  	_ =	shalt  }
0x83: {  	_ =	shalt  }
0x84: {  	_ =	shalt  }
0x85: {  	_ =	shalt  }
0x86: {  	_ =	shalt  }
0x87: {  	_ =	shalt  }
.Lfunc_end0:
.L_simem_size_0:
called_computation_lowered:
.L_overlay_start_0:
0x88: {  	s2 =	sld [smem:$0x3FD9]  }
0x89: {  	s3 =	sld [smem:$0x3FFE];
	_ =	sdelay $0x1  }
0x8a: {  	s1 =	srdreg.scid  }
0x8b: {  	s0 =	sand.u32 $0x1, s1  }
0x8c: {  	s20 =	sshll.u32 s0, $0xA;
	s2 =	sadd.s32 s3, s2  }
0x8d: {  	s2 =	sadd.s32 s2, s20  }
0x8e: {  	s4 =	simm.s32 $0x0;
	[smem:$0x3FC7] =	sst s2  }
0x8f: {  	[smem:$0xF] =	sst s4  }
0x90: {  	s3 =	sld [smem:$0x3FC9]  }
0x91: {  	s2 =	sld [smem:$0x3FD0];
	(tm) =	ssettm $0x1  }
0x92: {  	s5 =	sld [smem:$0x3FFB];
	_ =	sdelay $0x3  }
0x93: {  	_ =	strace s5  }
0x94: {  	s5 =	sld [smem:$0x3FFC];
	_ =	sdelay $0x3  }
0x95: {  	_ =	strace s5  }
0x96: {  	s5 =	sld [smem:$0x3FFD];
	_ =	sdelay $0x3  }
0x97: {  	s21 =	simm.s32 $0x1B8B;
	s22 =	simm.s32 $0x1B8E;
	_ =	strace s5  }
0x98: {  	s15 =	simm.s32 $0x9;
	s12 =	simm.s32 $0xA;
	_ =	strace $0x8FFFFFFF  }
0x99: {  	s10 =	simm.s32 $0x8000;
	s9 =	simm.s32 $0xB;
	_ =	swait.ge [sflag:s21], $0x1  }
0x9a: {  	s8 =	simm.s32 $0x10000;
	s5 =	sshll.u32 s0, $0x13;
	[sflag:s21] =	ssyncset.done $0x0  }
0x9b: {  	s7 =	simm.s32 $0xC;
	s6 =	sadd.s32 s5, s3;
	[sflag:s21] =	ssyncadd.s32 $0xFFFFFFFF  }
0x9c: {  	s11 =	sor.u32 $0x8000, s5;
	s14 =	sor.u32 $0x10000, s5;
	[smem:$0x3FD2] =	sst s22  }
0x9d: {  	s16 =	sor.u32 $0x18000, s5;
	s23 =	sadd.s32 s11, s3;
	_ =	strace $0x80000046  }
0x9e: {  	[spmem:s4], [sflag:s15] =	dma.local [hbm:s6], $0x8000  }
0x9f: {  	s24 =	sadd.s32 s14, s3;
	s13 =	sadd.s32 s16, s3;
	s6 =	simm.s32 $0x18000  }
0xa0: {  	[spmem:s10], [sflag:s12] =	dma.local [hbm:s23], $0x8000  }
0xa1: {  	[spmem:s8], [sflag:s9] =	dma.local [hbm:s24], $0x8000  }
0xa2: {  	[spmem:s6], [sflag:s7] =	dma.local [hbm:s13], $0x8000  }
0xa3: {  	_ =	swait.ge [sflag:s15], $0x8000  }
0xa4: {  	[sflag:s15] =	ssyncset.done $0x0  }
0xa5: {  	[sflag:s15] =	ssyncadd.s32 $0xFFFF8000  }
0xa6: {  	s17 =	sadd.s32 s5, s2;
	s13 =	simm.s32 $0xD  }
0xa7: {  	[hbm:s17], [sflag:s13] =	dma.local [spmem:s4], $0x8000  }
0xa8: {  	_ =	swait.ge [sflag:s12], $0x8000  }
0xa9: {  	[sflag:s12] =	ssyncset.done $0x0  }
0xaa: {  	[sflag:s12] =	ssyncadd.s32 $0xFFFF8000  }
0xab: {  	s25 =	sadd.s32 s11, s2;
	s11 =	simm.s32 $0xE  }
0xac: {  	[hbm:s25], [sflag:s11] =	dma.local [spmem:s10], $0x8000  }
0xad: {  	_ =	swait.ge [sflag:s9], $0x8000  }
0xae: {  	[sflag:s9] =	ssyncset.done $0x0  }
0xaf: {  	[sflag:s9] =	ssyncadd.s32 $0xFFFF8000  }
0xb0: {  	s26 =	sadd.s32 s14, s2;
	s14 =	simm.s32 $0xF  }
0xb1: {  	[hbm:s26], [sflag:s14] =	dma.local [spmem:s8], $0x8000  }
0xb2: {  	_ =	swait.ge [sflag:s13], $0x8000  }
0xb3: {  	[sflag:s13] =	ssyncset.done $0x0  }
0xb4: {  	s28 =	sor.u32 $0x20000, s5;
	[sflag:s13] =	ssyncadd.s32 $0xFFFF8000  }
0xb5: {  	s18 =	sadd.s32 s28, s3  }
0xb6: {  	[spmem:s4], [sflag:s15] =	dma.local [hbm:s18], $0x8000  }
0xb7: {  	_ =	swait.ge [sflag:s7], $0x8000  }
0xb8: {  	[sflag:s7] =	ssyncset.done $0x0  }
0xb9: {  	[sflag:s7] =	ssyncadd.s32 $0xFFFF8000  }
0xba: {  	s29 =	sadd.s32 s16, s2;
	s16 =	simm.s32 $0x10  }
0xbb: {  	[hbm:s29], [sflag:s16] =	dma.local [spmem:s6], $0x8000  }
0xbc: {  	_ =	swait.ge [sflag:s11], $0x8000  }
0xbd: {  	[sflag:s11] =	ssyncset.done $0x0  }
0xbe: {  	s30 =	sor.u32 $0x28000, s5;
	[sflag:s11] =	ssyncadd.s32 $0xFFFF8000  }
0xbf: {  	s19 =	sadd.s32 s30, s3  }
0xc0: {  	[spmem:s10], [sflag:s12] =	dma.local [hbm:s19], $0x8000  }
0xc1: {  	_ =	swait.ge [sflag:s15], $0x8000  }
0xc2: {  	[sflag:s15] =	ssyncset.done $0x0  }
0xc3: {  	[sflag:s15] =	ssyncadd.s32 $0xFFFF8000  }
0xc4: {  	s17 =	sadd.s32 s28, s2  }
0xc5: {  	[hbm:s17], [sflag:s13] =	dma.local [spmem:s4], $0x8000  }
0xc6: {  	_ =	swait.ge [sflag:s14], $0x8000  }
0xc7: {  	[sflag:s14] =	ssyncset.done $0x0  }
0xc8: {  	s31 =	sor.u32 $0x30000, s5;
	[sflag:s14] =	ssyncadd.s32 $0xFFFF8000  }
0xc9: {  	s20 =	sadd.s32 s31, s3  }
0xca: {  	[spmem:s8], [sflag:s9] =	dma.local [hbm:s20], $0x8000  }
0xcb: {  	_ =	swait.ge [sflag:s12], $0x8000  }
0xcc: {  	[sflag:s12] =	ssyncset.done $0x0  }
0xcd: {  	[sflag:s12] =	ssyncadd.s32 $0xFFFF8000  }
0xce: {  	s18 =	sadd.s32 s30, s2  }
0xcf: {  	[hbm:s18], [sflag:s11] =	dma.local [spmem:s10], $0x8000  }
0xd0: {  	_ =	swait.ge [sflag:s16], $0x8000  }
0xd1: {  	[sflag:s16] =	ssyncset.done $0x0  }
0xd2: {  	s21 =	sor.u32 $0x38000, s5;
	[sflag:s16] =	ssyncadd.s32 $0xFFFF8000  }
0xd3: {  	s22 =	sadd.s32 s21, s3  }
0xd4: {  	[spmem:s6], [sflag:s7] =	dma.local [hbm:s22], $0x8000  }
0xd5: {  	_ =	swait.ge [sflag:s9], $0x8000  }
0xd6: {  	[sflag:s9] =	ssyncset.done $0x0  }
0xd7: {  	[sflag:s9] =	ssyncadd.s32 $0xFFFF8000  }
0xd8: {  	s17 =	sadd.s32 s31, s2  }
0xd9: {  	[hbm:s17], [sflag:s14] =	dma.local [spmem:s8], $0x8000  }
0xda: {  	_ =	swait.ge [sflag:s13], $0x8000  }
0xdb: {  	[sflag:s13] =	ssyncset.done $0x0  }
0xdc: {  	s23 =	sor.u32 $0x40000, s5;
	[sflag:s13] =	ssyncadd.s32 $0xFFFF8000  }
0xdd: {  	s24 =	sadd.s32 s23, s3  }
0xde: {  	[spmem:s4], [sflag:s15] =	dma.local [hbm:s24], $0x8000  }
0xdf: {  	_ =	swait.ge [sflag:s7], $0x8000  }
0xe0: {  	[sflag:s7] =	ssyncset.done $0x0  }
0xe1: {  	[sflag:s7] =	ssyncadd.s32 $0xFFFF8000  }
0xe2: {  	s18 =	sadd.s32 s21, s2  }
0xe3: {  	[hbm:s18], [sflag:s16] =	dma.local [spmem:s6], $0x8000  }
0xe4: {  	_ =	swait.ge [sflag:s11], $0x8000  }
0xe5: {  	[sflag:s11] =	ssyncset.done $0x0  }
0xe6: {  	s25 =	sor.u32 $0x48000, s5;
	[sflag:s11] =	ssyncadd.s32 $0xFFFF8000  }
0xe7: {  	s26 =	sadd.s32 s25, s3  }
0xe8: {  	[spmem:s10], [sflag:s12] =	dma.local [hbm:s26], $0x8000  }
0xe9: {  	_ =	swait.ge [sflag:s15], $0x8000  }
0xea: {  	[sflag:s15] =	ssyncset.done $0x0  }
0xeb: {  	[sflag:s15] =	ssyncadd.s32 $0xFFFF8000  }
0xec: {  	s17 =	sadd.s32 s23, s2  }
0xed: {  	[hbm:s17], [sflag:s13] =	dma.local [spmem:s4], $0x8000  }
0xee: {  	_ =	swait.ge [sflag:s14], $0x8000  }
0xef: {  	[sflag:s14] =	ssyncset.done $0x0  }
0xf0: {  	s28 =	sor.u32 $0x50000, s5;
	[sflag:s14] =	ssyncadd.s32 $0xFFFF8000  }
0xf1: {  	s29 =	sadd.s32 s28, s3  }
0xf2: {  	[spmem:s8], [sflag:s9] =	dma.local [hbm:s29], $0x8000  }
0xf3: {  	_ =	swait.ge [sflag:s12], $0x8000  }
0xf4: {  	[sflag:s12] =	ssyncset.done $0x0  }
0xf5: {  	[sflag:s12] =	ssyncadd.s32 $0xFFFF8000  }
0xf6: {  	s18 =	sadd.s32 s25, s2  }
0xf7: {  	[hbm:s18], [sflag:s11] =	dma.local [spmem:s10], $0x8000  }
0xf8: {  	_ =	swait.ge [sflag:s16], $0x8000  }
0xf9: {  	[sflag:s16] =	ssyncset.done $0x0  }
0xfa: {  	s30 =	sor.u32 $0x58000, s5;
	[sflag:s16] =	ssyncadd.s32 $0xFFFF8000  }
0xfb: {  	s31 =	sadd.s32 s30, s3  }
0xfc: {  	[spmem:s6], [sflag:s7] =	dma.local [hbm:s31], $0x8000  }
0xfd: {  	_ =	swait.ge [sflag:s9], $0x8000  }
0xfe: {  	[sflag:s9] =	ssyncset.done $0x0  }
0xff: {  	[sflag:s9] =	ssyncadd.s32 $0xFFFF8000  }
0x100: {  	s17 =	sadd.s32 s28, s2  }
0x101: {  	[hbm:s17], [sflag:s14] =	dma.local [spmem:s8], $0x8000  }
0x102: {  	_ =	swait.ge [sflag:s13], $0x8000  }
0x103: {  	[sflag:s13] =	ssyncset.done $0x0  }
0x104: {  	s20 =	sor.u32 $0x60000, s5;
	[sflag:s13] =	ssyncadd.s32 $0xFFFF8000  }
0x105: {  	s21 =	sadd.s32 s20, s3  }
0x106: {  	[spmem:s4], [sflag:s15] =	dma.local [hbm:s21], $0x8000  }
0x107: {  	_ =	swait.ge [sflag:s7], $0x8000  }
0x108: {  	[sflag:s7] =	ssyncset.done $0x0  }
0x109: {  	[sflag:s7] =	ssyncadd.s32 $0xFFFF8000  }
0x10a: {  	s18 =	sadd.s32 s30, s2  }
0x10b: {  	[hbm:s18], [sflag:s16] =	dma.local [spmem:s6], $0x8000  }
0x10c: {  	_ =	swait.ge [sflag:s11], $0x8000  }
0x10d: {  	[sflag:s11] =	ssyncset.done $0x0  }
0x10e: {  	s22 =	sor.u32 $0x68000, s5;
	[sflag:s11] =	ssyncadd.s32 $0xFFFF8000  }
0x10f: {  	s23 =	sadd.s32 s22, s3  }
0x110: {  	[spmem:s10], [sflag:s12] =	dma.local [hbm:s23], $0x8000  }
0x111: {  	_ =	swait.ge [sflag:s15], $0x8000  }
0x112: {  	[sflag:s15] =	ssyncset.done $0x0  }
0x113: {  	[sflag:s15] =	ssyncadd.s32 $0xFFFF8000  }
0x114: {  	s24 =	sadd.s32 s20, s2  }
0x115: {  	[hbm:s24], [sflag:s13] =	dma.local [spmem:s4], $0x8000  }
0x116: {  	_ =	swait.ge [sflag:s14], $0x8000  }
0x117: {  	[sflag:s14] =	ssyncset.done $0x0  }
0x118: {  	s25 =	sor.u32 $0x70000, s5;
	[sflag:s14] =	ssyncadd.s32 $0xFFFF8000  }
0x119: {  	s26 =	sadd.s32 s25, s3  }
0x11a: {  	[spmem:s8], [sflag:s9] =	dma.local [hbm:s26], $0x8000  }
0x11b: {  	_ =	swait.ge [sflag:s12], $0x8000  }
0x11c: {  	[sflag:s12] =	ssyncset.done $0x0  }
0x11d: {  	[sflag:s12] =	ssyncadd.s32 $0xFFFF8000  }
0x11e: {  	s28 =	sadd.s32 s22, s2  }
0x11f: {  	[hbm:s28], [sflag:s11] =	dma.local [spmem:s10], $0x8000  }
0x120: {  	_ =	swait.ge [sflag:s16], $0x8000  }
0x121: {  	[sflag:s16] =	ssyncset.done $0x0  }
0x122: {  	s5 =	sor.u32 $0x78000, s5;
	[sflag:s16] =	ssyncadd.s32 $0xFFFF8000  }
0x123: {  	s3 =	sadd.s32 s5, s3  }
0x124: {  	[spmem:s6], [sflag:s7] =	dma.local [hbm:s3], $0x8000  }
0x125: {  	_ =	swait.ge [sflag:s9], $0x8000  }
0x126: {  	[sflag:s9] =	ssyncset.done $0x0  }
0x127: {  	[sflag:s9] =	ssyncadd.s32 $0xFFFF8000  }
0x128: {  	s29 =	sadd.s32 s25, s2  }
0x129: {  	[hbm:s29], [sflag:s14] =	dma.local [spmem:s8], $0x8000  }
0x12a: {  	_ =	swait.ge [sflag:s13], $0x8000  }
0x12b: {  	[sflag:s13] =	ssyncset.done $0x0  }
0x12c: {  	[sflag:s13] =	ssyncadd.s32 $0xFFFF8000;
	_ =	sdelay $0x2  }
0x12d: {  	_ =	swait.ge [sflag:s7], $0x8000  }
0x12e: {  	[sflag:s7] =	ssyncset.done $0x0  }
0x12f: {  	[sflag:s7] =	ssyncadd.s32 $0xFFFF8000  }
0x130: {  	s2 =	sadd.s32 s5, s2  }
0x131: {  	[hbm:s2], [sflag:s16] =	dma.local [spmem:s6], $0x8000  }
0x132: {  	_ =	swait.ge [sflag:s11], $0x8000  }
0x133: {  	[sflag:s11] =	ssyncset.done $0x0  }
0x134: {  	[sflag:s11] =	ssyncadd.s32 $0xFFFF8000;
	_ =	sdelay $0x2  }
0x135: {  	_ =	swait.ge [sflag:s14], $0x8000  }
0x136: {  	[sflag:s14] =	ssyncset.done $0x0  }
0x137: {  	[sflag:s14] =	ssyncadd.s32 $0xFFFF8000;
	_ =	sdelay $0x2  }
0x138: {  	_ =	swait.ge [sflag:s16], $0x8000  }
0x139: {  	[sflag:s16] =	ssyncset.done $0x0  }
0x13a: {  	[sflag:s16] =	ssyncadd.s32 $0xFFFF8000  }
0x13b: {  	_ =	strace $0x90000046  }
0x13c: {  	_ =	sfence  }
0x13d: {  	s30 =	sld [smem:$0x0];
	_ =	sdelay $0x2  }
0x13e: {  	s31 =	sshll.u32 s1, $0xD;
	s1 =	sshrl.u32 s1, $0x2  }
0x13f: {  	s3 =	sand.u32 $0x4000, s31;
	s1 =	sadd.s32 s1, s30  }
0x140: {  	s0 =	sor.u32 s3, s0;
	s1 =	sshll.u32 s1, $0x11  }
0x141: {  	s0 =	sor.u32 s1, s0  }
0x142: {  	s0 =	sadd.s32 $0x8F2B, s0;
	(pc) =	sbr.abs _section_cstart, $3  }
0x143: {  	[sflag:s0] =	ssyncadd.remote.s32 $0x1  }
0x144: {  	_ =	strace $0x9FFFFFFF  }
0x145: {  	(tm) =	ssettm $0x7FFFFFFF  }

</sc_bundles>
